<compile_context>
chip_gen: v7x
topology: tpu7x:2x2x1
jax: 0.10.2.dev20260603
libtpu: 0.0.44.dev20260713+nightly
codegen_flags: <defaults>
</compile_context>

<pallas_src>
import functools

import jax
import jax.numpy as jnp
from jax import lax
from jax.experimental import pallas as pl
from jax.experimental.pallas import tpu as pltpu
from jax.experimental.pallas import tpu_sc as plsc

N = 1024
E = 16384
F = 50176
H1 = 1024
H2 = 256

NC, NS, L = 2, 16, 16
NW = NC * NS
EPT = E // NW
SLICE = (N * N) // NS
ZCH = 8192


def _sc_count_body(edges_hbm, out_hbm, ev, idx4, ones_v, zeros_v, cshared):
    cid = lax.axis_index("c")
    sid = lax.axis_index("s")

    def _zfill(i, _):
        zeros_v[pl.ds(i * L, L)] = jnp.zeros((L,), jnp.float32)
        return 0
    lax.fori_loop(0, ZCH // L, _zfill, 0)
    for r in range(128 // L):
        ones_v[pl.ds(r * L, L)] = jnp.full((L,), 1.0, jnp.float32)
    for j in range(SLICE // ZCH):
        pltpu.sync_copy(zeros_v, cshared.at[pl.ds(sid * SLICE + j * ZCH, ZCH)])
    plsc.subcore_barrier()

    base = (cid * NS + sid) * EPT
    pltpu.sync_copy(edges_hbm.at[:, pl.ds(base, EPT)], ev)
    for c in range(EPT // L):
        s = ev[0, pl.ds(c * L, L)]
        d = ev[1, pl.ds(c * L, L)]
        idx4[c // 8, pl.ds((c % 8) * L, L)] = d * N + s

    for r in range(EPT // 128):
        pltpu.sync_copy(ones_v, cshared.at[idx4.at[r]], add=True)
    plsc.subcore_barrier()

    pltpu.sync_copy(cshared.at[pl.ds(sid * SLICE, SLICE)],
                    out_hbm.at[cid, pl.ds(sid * SLICE, SLICE)])


_sc_count = functools.partial(
    pl.kernel,
    out_type=jax.ShapeDtypeStruct((NC, N * N), jnp.float32),
    mesh=plsc.VectorSubcoreMesh(core_axis_name="c", subcore_axis_name="s"),
    scratch_types=[
        pltpu.VMEM((2, EPT), jnp.int32),
        pltpu.VMEM((EPT // 128, 128), jnp.int32),
        pltpu.VMEM((128,), jnp.float32),
        pltpu.VMEM((ZCH,), jnp.float32),
        pltpu.VMEM_SHARED((N * N,), jnp.float32),
    ],
)(_sc_count_body)


KB = 512
KSTEPS = F // KB


def _mm_body(x_ref, w_ref, o_ref, acc_ref):
    k = pl.program_id(0)

    @pl.when(k == 0)
    def _init():
        acc_ref[...] = jnp.zeros_like(acc_ref)

    acc_ref[...] += jnp.dot(x_ref[...], w_ref[...],
                            preferred_element_type=jnp.float32)

    @pl.when(k == KSTEPS - 1)
    def _done():
        o_ref[...] = acc_ref[...]


def _mm(x, w1):
    return pl.pallas_call(
        _mm_body,
        grid=(KSTEPS,),
        in_specs=[
            pl.BlockSpec((N, KB), lambda k: (0, k)),
            pl.BlockSpec((KB, H1), lambda k: (k, 0)),
        ],
        out_specs=pl.BlockSpec((N, H1), lambda k: (0, 0)),
        out_shape=jax.ShapeDtypeStruct((N, H1), jnp.float32),
        scratch_shapes=[pltpu.VMEM((N, H1), jnp.float32)],
    )(x, w1)


def _epi_body(cp_ref, h_ref, b1_ref, w2_ref, b2_ref, wfc_ref, bfc_ref, o_ref):
    c = cp_ref[0] + cp_ref[1]
    rows = lax.broadcasted_iota(jnp.int32, (N, N), 0)
    cols = lax.broadcasted_iota(jnp.int32, (N, N), 1)
    cp = c + jnp.where(rows == cols, 1.0, 0.0)
    deg = jnp.sum(cp, axis=1, keepdims=True)
    dinv = lax.rsqrt(jnp.maximum(deg, 1.0))

    h1 = jnp.dot(cp, dinv * h_ref[...], preferred_element_type=jnp.float32)
    h1 = jnp.maximum(dinv * h1 + b1_ref[...], 0.0)
    t = jnp.dot(h1, w2_ref[...], preferred_element_type=jnp.float32)
    h2 = jnp.dot(cp, dinv * t, preferred_element_type=jnp.float32)
    h2 = jnp.maximum(dinv * h2 + b2_ref[...], 0.0)

    pooled = jnp.mean(h2, axis=0, keepdims=True)
    logits = jnp.dot(pooled, wfc_ref[...],
                     preferred_element_type=jnp.float32) + bfc_ref[...]
    m = jnp.max(logits, axis=1, keepdims=True)
    ex = jnp.exp(logits - m)
    o_ref[...] = (logits - m) - jnp.log(jnp.sum(ex, axis=1, keepdims=True))


def _epilogue(cpart, h, b1, w2, b2, wfc, bfc):
    return pl.pallas_call(
        _epi_body,
        out_shape=jax.ShapeDtypeStruct((1, 2), jnp.float32),
    )(cpart, h, b1, w2, b2, wfc, bfc)


def kernel(x, edge_index, W1, b1, W2, b2, Wfc, bfc):
    ei = edge_index.astype(jnp.int32)
    cpart = _sc_count(ei).reshape(NC, N, N)
    h = _mm(x.astype(jnp.float32), W1)
    return _epilogue(cpart, h, b1.reshape(1, H1), W2, b2.reshape(1, H2),
                     Wfc, bfc.reshape(1, 2))

# --- scband reference (transcript-rebuilt; emitter-appended) ---
"""Pipeline reference for scband-gcn-76751065580100 (READ-ONLY COPY).

The authoritative reference and input builder live on the scoring server;
editing this copy changes nothing except your own understanding.
"""

import jax, jax.numpy as jnp
import numpy as np


def gcn_conv(x, src, dst, W, b):
    # Faithful GCNConv: x' = W x, add self-loops, symmetric degree norm, scatter-add aggregate, + bias
    n = x.shape[0]
    h = x @ W
    loop = jnp.arange(n, dtype=src.dtype)
    src2 = jnp.concatenate([src, loop])
    dst2 = jnp.concatenate([dst, loop])
    deg = jax.ops.segment_sum(jnp.ones_like(dst2, dtype=h.dtype), dst2, num_segments=n)
    dinv = jax.lax.rsqrt(jnp.maximum(deg, 1.0))
    norm = dinv[src2] * dinv[dst2]
    msg = h[src2] * norm[:, None]
    out = jax.ops.segment_sum(msg, dst2, num_segments=n)
    return out + b


def setup_inputs(seed: int = 0) -> dict:
    key = jax.random.key(seed)
    ks = jax.random.split(key, 9)
    N = 1024
    E = 16384
    x = jax.random.normal(ks[0], (N, 50176), dtype=jnp.float32)
    edge_index = jax.random.randint(ks[1], (2, E), 0, N, dtype=jnp.int64)
    W1 = jax.random.normal(ks[2], (50176, 1024), dtype=jnp.float32) * 0.01
    b1 = jnp.zeros((1024,), dtype=jnp.float32)
    W2 = jax.random.normal(ks[3], (1024, 256), dtype=jnp.float32) * 0.02
    b2 = jnp.zeros((256,), dtype=jnp.float32)
    Wfc = jax.random.normal(ks[4], (256, 2), dtype=jnp.float32) * 0.05
    bfc = jnp.zeros((2,), dtype=jnp.float32)
    return {"x": x, "edge_index": edge_index, "W1": W1, "b1": b1, "W2": W2, "b2": b2, "Wfc": Wfc, "bfc": bfc}


def reference(x, edge_index, W1, b1, W2, b2, Wfc, bfc):
    x = x.astype(jnp.float32)
    src = edge_index[0]
    dst = edge_index[1]
    h = jax.nn.relu(gcn_conv(x, src, dst, W1, b1))
    h = jax.nn.relu(gcn_conv(h, src, dst, W2, b2))
    # global_mean_pool with batch = zeros -> mean over all nodes, shape [1, 256]
    pooled = jnp.mean(h, axis=0, keepdims=True)
    logits = pooled @ Wfc + bfc
    return jax.nn.log_softmax(logits, axis=1)

if __name__ == "__main__":
    import jax
    _d = setup_inputs()
    print(jax.jit(kernel)(*tuple(_d.values())))

</pallas_src>

<mosaic_0001>
#map = affine_map<(d0, d1) -> (0, 0)>
module attributes {stable_mosaic.version = 14 : i64} {
  func.func @_sc_count_body(%arg0: i32, %arg1: i32, %arg2: memref<2x16384xi32, #tpu.memory_space<hbm>>, %arg3: memref<2x1048576xf32, #tpu.memory_space<hbm>>, %arg4: memref<2x512xi32, #tpu.memory_space<vmem>>, %arg5: memref<4x128xi32, #tpu.memory_space<vmem>>, %arg6: memref<128xf32, #tpu.memory_space<vmem>>, %arg7: memref<8192xf32, #tpu.memory_space<vmem>>, %arg8: memref<1048576xf32, #tpu.memory_space<vmem_shared>>) attributes {dimension_semantics = [#tpu.dimension_semantics<core_parallel>, #tpu.dimension_semantics<subcore_parallel>], iteration_bounds = array<i64: 2, 16>, scalar_prefetch = 0 : i64, scratch_operands = 5 : i64, tpu.core_type = #tpu.core_type<sc_vector_subcore>, window_params = [{transform_indices = #map}, {transform_indices = #map}]} {
    %scan3A = arith.constant 0 : i32
    %scan3A_0 = arith.constant 0 : i32
    %scan3A_1 = arith.constant 512 : i32
    %scan3A_2 = arith.addi %scan3A_0, %scan3A_1 : i32
    %scan3A_3 = arith.constant 1 : i32
    %scan3A_4 = scf.for %scan3A_734 = %scan3A_0 to %scan3A_2 step %scan3A_3 iter_args(%scan3A_735 = %scan3A) -> (i32)  : i32 {
      %broadcast_in_dim3A_736 = arith.constant 0.000000e+00 : f32
      %broadcast_in_dim3A_737 = vector.broadcast %broadcast_in_dim3A_736 : f32 to vector<16xf32>
      %mul3A_738 = arith.constant 16 : i32
      %mul3A_739 = arith.muli %scan3A_734, %mul3A_738 : i32
      %swap3A_740 = arith.index_cast %mul3A_739 : i32 to index
      %swap3A_741 = tpu.vector_load %arg7[%swap3A_740] {strides = array<i32>} : memref<8192xf32, #tpu.memory_space<vmem>>, vector<16xf32>,
      %swap3A_742 = vector.shape_cast %swap3A_741 : vector<16xf32> to vector<16xf32>
      %swap3A_743 = vector.shape_cast %broadcast_in_dim3A_737 : vector<16xf32> to vector<16xf32>
      tpu.vector_store %arg7[%swap3A_740], %swap3A_743 {strides = array<i32>} : memref<8192xf32, #tpu.memory_space<vmem>>, vector<16xf32>,
      %scan3A_744 = arith.constant 0 : i32
      scf.yield %scan3A_744 : i32
    }
    %scan3A_5 = arith.constant 512 : i32
    %broadcast_in_dim3A = arith.constant 1.000000e+00 : f32
    %broadcast_in_dim3A_6 = vector.broadcast %broadcast_in_dim3A : f32 to vector<16xf32>
    %swap3A = arith.constant 0 : index
    %swap3A_7 = tpu.vector_load %arg6[%swap3A] {strides = array<i32>} : memref<128xf32, #tpu.memory_space<vmem>>, vector<16xf32>,
    %swap3A_8 = vector.shape_cast %swap3A_7 : vector<16xf32> to vector<16xf32>
    %swap3A_9 = vector.shape_cast %broadcast_in_dim3A_6 : vector<16xf32> to vector<16xf32>
    tpu.vector_store %arg6[%swap3A], %swap3A_9 {strides = array<i32>} : memref<128xf32, #tpu.memory_space<vmem>>, vector<16xf32>,
    %broadcast_in_dim3A_10 = arith.constant 1.000000e+00 : f32
    %broadcast_in_dim3A_11 = vector.broadcast %broadcast_in_dim3A_10 : f32 to vector<16xf32>
    %swap3A_12 = arith.constant 16 : index
    %swap3A_13 = tpu.vector_load %arg6[%swap3A_12] {strides = array<i32>} : memref<128xf32, #tpu.memory_space<vmem>>, vector<16xf32>,
    %swap3A_14 = vector.shape_cast %swap3A_13 : vector<16xf32> to vector<16xf32>
    %swap3A_15 = vector.shape_cast %broadcast_in_dim3A_11 : vector<16xf32> to vector<16xf32>
    tpu.vector_store %arg6[%swap3A_12], %swap3A_15 {strides = array<i32>} : memref<128xf32, #tpu.memory_space<vmem>>, vector<16xf32>,
    %broadcast_in_dim3A_16 = arith.constant 1.000000e+00 : f32
    %broadcast_in_dim3A_17 = vector.broadcast %broadcast_in_dim3A_16 : f32 to vector<16xf32>
    %swap3A_18 = arith.constant 32 : index
    %swap3A_19 = tpu.vector_load %arg6[%swap3A_18] {strides = array<i32>} : memref<128xf32, #tpu.memory_space<vmem>>, vector<16xf32>,
    %swap3A_20 = vector.shape_cast %swap3A_19 : vector<16xf32> to vector<16xf32>
    %swap3A_21 = vector.shape_cast %broadcast_in_dim3A_17 : vector<16xf32> to vector<16xf32>
    tpu.vector_store %arg6[%swap3A_18], %swap3A_21 {strides = array<i32>} : memref<128xf32, #tpu.memory_space<vmem>>, vector<16xf32>,
    %broadcast_in_dim3A_22 = arith.constant 1.000000e+00 : f32
    %broadcast_in_dim3A_23 = vector.broadcast %broadcast_in_dim3A_22 : f32 to vector<16xf32>
    %swap3A_24 = arith.constant 48 : index
    %swap3A_25 = tpu.vector_load %arg6[%swap3A_24] {strides = array<i32>} : memref<128xf32, #tpu.memory_space<vmem>>, vector<16xf32>,
    %swap3A_26 = vector.shape_cast %swap3A_25 : vector<16xf32> to vector<16xf32>
    %swap3A_27 = vector.shape_cast %broadcast_in_dim3A_23 : vector<16xf32> to vector<16xf32>
    tpu.vector_store %arg6[%swap3A_24], %swap3A_27 {strides = array<i32>} : memref<128xf32, #tpu.memory_space<vmem>>, vector<16xf32>,
    %broadcast_in_dim3A_28 = arith.constant 1.000000e+00 : f32
    %broadcast_in_dim3A_29 = vector.broadcast %broadcast_in_dim3A_28 : f32 to vector<16xf32>
    %swap3A_30 = arith.constant 64 : index
    %swap3A_31 = tpu.vector_load %arg6[%swap3A_30] {strides = array<i32>} : memref<128xf32, #tpu.memory_space<vmem>>, vector<16xf32>,
    %swap3A_32 = vector.shape_cast %swap3A_31 : vector<16xf32> to vector<16xf32>
    %swap3A_33 = vector.shape_cast %broadcast_in_dim3A_29 : vector<16xf32> to vector<16xf32>
    tpu.vector_store %arg6[%swap3A_30], %swap3A_33 {strides = array<i32>} : memref<128xf32, #tpu.memory_space<vmem>>, vector<16xf32>,
    %broadcast_in_dim3A_34 = arith.constant 1.000000e+00 : f32
    %broadcast_in_dim3A_35 = vector.broadcast %broadcast_in_dim3A_34 : f32 to vector<16xf32>
    %swap3A_36 = arith.constant 80 : index
    %swap3A_37 = tpu.vector_load %arg6[%swap3A_36] {strides = array<i32>} : memref<128xf32, #tpu.memory_space<vmem>>, vector<16xf32>,
    %swap3A_38 = vector.shape_cast %swap3A_37 : vector<16xf32> to vector<16xf32>
    %swap3A_39 = vector.shape_cast %broadcast_in_dim3A_35 : vector<16xf32> to vector<16xf32>
    tpu.vector_store %arg6[%swap3A_36], %swap3A_39 {strides = array<i32>} : memref<128xf32, #tpu.memory_space<vmem>>, vector<16xf32>,
    %broadcast_in_dim3A_40 = arith.constant 1.000000e+00 : f32
    %broadcast_in_dim3A_41 = vector.broadcast %broadcast_in_dim3A_40 : f32 to vector<16xf32>
    %swap3A_42 = arith.constant 96 : index
    %swap3A_43 = tpu.vector_load %arg6[%swap3A_42] {strides = array<i32>} : memref<128xf32, #tpu.memory_space<vmem>>, vector<16xf32>,
    %swap3A_44 = vector.shape_cast %swap3A_43 : vector<16xf32> to vector<16xf32>
    %swap3A_45 = vector.shape_cast %broadcast_in_dim3A_41 : vector<16xf32> to vector<16xf32>
    tpu.vector_store %arg6[%swap3A_42], %swap3A_45 {strides = array<i32>} : memref<128xf32, #tpu.memory_space<vmem>>, vector<16xf32>,
    %broadcast_in_dim3A_46 = arith.constant 1.000000e+00 : f32
    %broadcast_in_dim3A_47 = vector.broadcast %broadcast_in_dim3A_46 : f32 to vector<16xf32>
    %swap3A_48 = arith.constant 112 : index
    %swap3A_49 = tpu.vector_load %arg6[%swap3A_48] {strides = array<i32>} : memref<128xf32, #tpu.memory_space<vmem>>, vector<16xf32>,
    %swap3A_50 = vector.shape_cast %swap3A_49 : vector<16xf32> to vector<16xf32>
    %swap3A_51 = vector.shape_cast %broadcast_in_dim3A_47 : vector<16xf32> to vector<16xf32>
    tpu.vector_store %arg6[%swap3A_48], %swap3A_51 {strides = array<i32>} : memref<128xf32, #tpu.memory_space<vmem>>, vector<16xf32>,
    %mul3A = arith.constant 65536 : i32
    %mul3A_52 = arith.muli %arg1, %mul3A : i32
    %add3A = arith.constant 0 : i32
    %add3A_53 = arith.addi %mul3A_52, %add3A : i32
    "tpu.region"() ({
      %run_scoped3A_734 = tpu.sem_alloc : memref<!tpu.dma_semaphore, #tpu.memory_space<semaphore_mem>>
      %dma_start3A = tpu.memref_slice %arg8[%add3A_53] : memref<1048576xf32, #tpu.memory_space<vmem_shared>> -> memref<8192xf32, #tpu.memory_space<vmem_shared>>
      %dma_start3A_735 = tpu.memref_slice %arg8[%add3A_53] : memref<1048576xf32, #tpu.memory_space<vmem_shared>> -> memref<8192xf32, #tpu.memory_space<vmem_shared>>
      tpu.enqueue_dma source(%arg7 : memref<8192xf32, #tpu.memory_space<vmem>>) target(%dma_start3A_735 : memref<8192xf32, #tpu.memory_space<vmem_shared>>) target_semaphore(%run_scoped3A_734 : memref<!tpu.dma_semaphore, #tpu.memory_space<semaphore_mem>>)
      %dma_wait3A = tpu.memref_slice %arg8[%add3A_53] : memref<1048576xf32, #tpu.memory_space<vmem_shared>> -> memref<8192xf32, #tpu.memory_space<vmem_shared>>
      %dma_wait3A_736 = tpu.memref_slice %arg8[%add3A_53] : memref<1048576xf32, #tpu.memory_space<vmem_shared>> -> memref<8192xf32, #tpu.memory_space<vmem_shared>>
      tpu.wait_dma2 semaphore(%run_scoped3A_734 : memref<!tpu.dma_semaphore, #tpu.memory_space<semaphore_mem>>) src(%arg7 : memref<8192xf32, #tpu.memory_space<vmem>>) dst(%dma_wait3A_736 : memref<8192xf32, #tpu.memory_space<vmem_shared>>)
      tpu.yield
    }) : () -> ()
    %mul3A_54 = arith.constant 65536 : i32
    %mul3A_55 = arith.muli %arg1, %mul3A_54 : i32
    %add3A_56 = arith.constant 8192 : i32
    %add3A_57 = arith.addi %mul3A_55, %add3A_56 : i32
    "tpu.region"() ({
      %run_scoped3A_734 = tpu.sem_alloc : memref<!tpu.dma_semaphore, #tpu.memory_space<semaphore_mem>>
      %dma_start3A = tpu.memref_slice %arg8[%add3A_57] : memref<1048576xf32, #tpu.memory_space<vmem_shared>> -> memref<8192xf32, #tpu.memory_space<vmem_shared>>
      %dma_start3A_735 = tpu.memref_slice %arg8[%add3A_57] : memref<1048576xf32, #tpu.memory_space<vmem_shared>> -> memref<8192xf32, #tpu.memory_space<vmem_shared>>
      tpu.enqueue_dma source(%arg7 : memref<8192xf32, #tpu.memory_space<vmem>>) target(%dma_start3A_735 : memref<8192xf32, #tpu.memory_space<vmem_shared>>) target_semaphore(%run_scoped3A_734 : memref<!tpu.dma_semaphore, #tpu.memory_space<semaphore_mem>>)
      %dma_wait3A = tpu.memref_slice %arg8[%add3A_57] : memref<1048576xf32, #tpu.memory_space<vmem_shared>> -> memref<8192xf32, #tpu.memory_space<vmem_shared>>
      %dma_wait3A_736 = tpu.memref_slice %arg8[%add3A_57] : memref<1048576xf32, #tpu.memory_space<vmem_shared>> -> memref<8192xf32, #tpu.memory_space<vmem_shared>>
      tpu.wait_dma2 semaphore(%run_scoped3A_734 : memref<!tpu.dma_semaphore, #tpu.memory_space<semaphore_mem>>) src(%arg7 : memref<8192xf32, #tpu.memory_space<vmem>>) dst(%dma_wait3A_736 : memref<8192xf32, #tpu.memory_space<vmem_shared>>)
      tpu.yield
    }) : () -> ()
    %mul3A_58 = arith.constant 65536 : i32
    %mul3A_59 = arith.muli %arg1, %mul3A_58 : i32
    %add3A_60 = arith.constant 16384 : i32
    %add3A_61 = arith.addi %mul3A_59, %add3A_60 : i32
    "tpu.region"() ({
      %run_scoped3A_734 = tpu.sem_alloc : memref<!tpu.dma_semaphore, #tpu.memory_space<semaphore_mem>>
      %dma_start3A = tpu.memref_slice %arg8[%add3A_61] : memref<1048576xf32, #tpu.memory_space<vmem_shared>> -> memref<8192xf32, #tpu.memory_space<vmem_shared>>
      %dma_start3A_735 = tpu.memref_slice %arg8[%add3A_61] : memref<1048576xf32, #tpu.memory_space<vmem_shared>> -> memref<8192xf32, #tpu.memory_space<vmem_shared>>
      tpu.enqueue_dma source(%arg7 : memref<8192xf32, #tpu.memory_space<vmem>>) target(%dma_start3A_735 : memref<8192xf32, #tpu.memory_space<vmem_shared>>) target_semaphore(%run_scoped3A_734 : memref<!tpu.dma_semaphore, #tpu.memory_space<semaphore_mem>>)
      %dma_wait3A = tpu.memref_slice %arg8[%add3A_61] : memref<1048576xf32, #tpu.memory_space<vmem_shared>> -> memref<8192xf32, #tpu.memory_space<vmem_shared>>
      %dma_wait3A_736 = tpu.memref_slice %arg8[%add3A_61] : memref<1048576xf32, #tpu.memory_space<vmem_shared>> -> memref<8192xf32, #tpu.memory_space<vmem_shared>>
      tpu.wait_dma2 semaphore(%run_scoped3A_734 : memref<!tpu.dma_semaphore, #tpu.memory_space<semaphore_mem>>) src(%arg7 : memref<8192xf32, #tpu.memory_space<vmem>>) dst(%dma_wait3A_736 : memref<8192xf32, #tpu.memory_space<vmem_shared>>)
      tpu.yield
    }) : () -> ()
    %mul3A_62 = arith.constant 65536 : i32
    %mul3A_63 = arith.muli %arg1, %mul3A_62 : i32
    %add3A_64 = arith.constant 24576 : i32
    %add3A_65 = arith.addi %mul3A_63, %add3A_64 : i32
    "tpu.region"() ({
      %run_scoped3A_734 = tpu.sem_alloc : memref<!tpu.dma_semaphore, #tpu.memory_space<semaphore_mem>>
      %dma_start3A = tpu.memref_slice %arg8[%add3A_65] : memref<1048576xf32, #tpu.memory_space<vmem_shared>> -> memref<8192xf32, #tpu.memory_space<vmem_shared>>
      %dma_start3A_735 = tpu.memref_slice %arg8[%add3A_65] : memref<1048576xf32, #tpu.memory_space<vmem_shared>> -> memref<8192xf32, #tpu.memory_space<vmem_shared>>
      tpu.enqueue_dma source(%arg7 : memref<8192xf32, #tpu.memory_space<vmem>>) target(%dma_start3A_735 : memref<8192xf32, #tpu.memory_space<vmem_shared>>) target_semaphore(%run_scoped3A_734 : memref<!tpu.dma_semaphore, #tpu.memory_space<semaphore_mem>>)
      %dma_wait3A = tpu.memref_slice %arg8[%add3A_65] : memref<1048576xf32, #tpu.memory_space<vmem_shared>> -> memref<8192xf32, #tpu.memory_space<vmem_shared>>
      %dma_wait3A_736 = tpu.memref_slice %arg8[%add3A_65] : memref<1048576xf32, #tpu.memory_space<vmem_shared>> -> memref<8192xf32, #tpu.memory_space<vmem_shared>>
      tpu.wait_dma2 semaphore(%run_scoped3A_734 : memref<!tpu.dma_semaphore, #tpu.memory_space<semaphore_mem>>) src(%arg7 : memref<8192xf32, #tpu.memory_space<vmem>>) dst(%dma_wait3A_736 : memref<8192xf32, #tpu.memory_space<vmem_shared>>)
      tpu.yield
    }) : () -> ()
    %mul3A_66 = arith.constant 65536 : i32
    %mul3A_67 = arith.muli %arg1, %mul3A_66 : i32
    %add3A_68 = arith.constant 32768 : i32
    %add3A_69 = arith.addi %mul3A_67, %add3A_68 : i32
    "tpu.region"() ({
      %run_scoped3A_734 = tpu.sem_alloc : memref<!tpu.dma_semaphore, #tpu.memory_space<semaphore_mem>>
      %dma_start3A = tpu.memref_slice %arg8[%add3A_69] : memref<1048576xf32, #tpu.memory_space<vmem_shared>> -> memref<8192xf32, #tpu.memory_space<vmem_shared>>
      %dma_start3A_735 = tpu.memref_slice %arg8[%add3A_69] : memref<1048576xf32, #tpu.memory_space<vmem_shared>> -> memref<8192xf32, #tpu.memory_space<vmem_shared>>
      tpu.enqueue_dma source(%arg7 : memref<8192xf32, #tpu.memory_space<vmem>>) target(%dma_start3A_735 : memref<8192xf32, #tpu.memory_space<vmem_shared>>) target_semaphore(%run_scoped3A_734 : memref<!tpu.dma_semaphore, #tpu.memory_space<semaphore_mem>>)
      %dma_wait3A = tpu.memref_slice %arg8[%add3A_69] : memref<1048576xf32, #tpu.memory_space<vmem_shared>> -> memref<8192xf32, #tpu.memory_space<vmem_shared>>
      %dma_wait3A_736 = tpu.memref_slice %arg8[%add3A_69] : memref<1048576xf32, #tpu.memory_space<vmem_shared>> -> memref<8192xf32, #tpu.memory_space<vmem_shared>>
      tpu.wait_dma2 semaphore(%run_scoped3A_734 : memref<!tpu.dma_semaphore, #tpu.memory_space<semaphore_mem>>) src(%arg7 : memref<8192xf32, #tpu.memory_space<vmem>>) dst(%dma_wait3A_736 : memref<8192xf32, #tpu.memory_space<vmem_shared>>)
      tpu.yield
    }) : () -> ()
    %mul3A_70 = arith.constant 65536 : i32
    %mul3A_71 = arith.muli %arg1, %mul3A_70 : i32
    %add3A_72 = arith.constant 40960 : i32
    %add3A_73 = arith.addi %mul3A_71, %add3A_72 : i32
    "tpu.region"() ({
      %run_scoped3A_734 = tpu.sem_alloc : memref<!tpu.dma_semaphore, #tpu.memory_space<semaphore_mem>>
      %dma_start3A = tpu.memref_slice %arg8[%add3A_73] : memref<1048576xf32, #tpu.memory_space<vmem_shared>> -> memref<8192xf32, #tpu.memory_space<vmem_shared>>
      %dma_start3A_735 = tpu.memref_slice %arg8[%add3A_73] : memref<1048576xf32, #tpu.memory_space<vmem_shared>> -> memref<8192xf32, #tpu.memory_space<vmem_shared>>
      tpu.enqueue_dma source(%arg7 : memref<8192xf32, #tpu.memory_space<vmem>>) target(%dma_start3A_735 : memref<8192xf32, #tpu.memory_space<vmem_shared>>) target_semaphore(%run_scoped3A_734 : memref<!tpu.dma_semaphore, #tpu.memory_space<semaphore_mem>>)
      %dma_wait3A = tpu.memref_slice %arg8[%add3A_73] : memref<1048576xf32, #tpu.memory_space<vmem_shared>> -> memref<8192xf32, #tpu.memory_space<vmem_shared>>
      %dma_wait3A_736 = tpu.memref_slice %arg8[%add3A_73] : memref<1048576xf32, #tpu.memory_space<vmem_shared>> -> memref<8192xf32, #tpu.memory_space<vmem_shared>>
      tpu.wait_dma2 semaphore(%run_scoped3A_734 : memref<!tpu.dma_semaphore, #tpu.memory_space<semaphore_mem>>) src(%arg7 : memref<8192xf32, #tpu.memory_space<vmem>>) dst(%dma_wait3A_736 : memref<8192xf32, #tpu.memory_space<vmem_shared>>)
      tpu.yield
    }) : () -> ()
    %mul3A_74 = arith.constant 65536 : i32
    %mul3A_75 = arith.muli %arg1, %mul3A_74 : i32
    %add3A_76 = arith.constant 49152 : i32
    %add3A_77 = arith.addi %mul3A_75, %add3A_76 : i32
    "tpu.region"() ({
      %run_scoped3A_734 = tpu.sem_alloc : memref<!tpu.dma_semaphore, #tpu.memory_space<semaphore_mem>>
      %dma_start3A = tpu.memref_slice %arg8[%add3A_77] : memref<1048576xf32, #tpu.memory_space<vmem_shared>> -> memref<8192xf32, #tpu.memory_space<vmem_shared>>
      %dma_start3A_735 = tpu.memref_slice %arg8[%add3A_77] : memref<1048576xf32, #tpu.memory_space<vmem_shared>> -> memref<8192xf32, #tpu.memory_space<vmem_shared>>
      tpu.enqueue_dma source(%arg7 : memref<8192xf32, #tpu.memory_space<vmem>>) target(%dma_start3A_735 : memref<8192xf32, #tpu.memory_space<vmem_shared>>) target_semaphore(%run_scoped3A_734 : memref<!tpu.dma_semaphore, #tpu.memory_space<semaphore_mem>>)
      %dma_wait3A = tpu.memref_slice %arg8[%add3A_77] : memref<1048576xf32, #tpu.memory_space<vmem_shared>> -> memref<8192xf32, #tpu.memory_space<vmem_shared>>
      %dma_wait3A_736 = tpu.memref_slice %arg8[%add3A_77] : memref<1048576xf32, #tpu.memory_space<vmem_shared>> -> memref<8192xf32, #tpu.memory_space<vmem_shared>>
      tpu.wait_dma2 semaphore(%run_scoped3A_734 : memref<!tpu.dma_semaphore, #tpu.memory_space<semaphore_mem>>) src(%arg7 : memref<8192xf32, #tpu.memory_space<vmem>>) dst(%dma_wait3A_736 : memref<8192xf32, #tpu.memory_space<vmem_shared>>)
      tpu.yield
    }) : () -> ()
    %mul3A_78 = arith.constant 65536 : i32
    %mul3A_79 = arith.muli %arg1, %mul3A_78 : i32
    %add3A_80 = arith.constant 57344 : i32
    %add3A_81 = arith.addi %mul3A_79, %add3A_80 : i32
    "tpu.region"() ({
      %run_scoped3A_734 = tpu.sem_alloc : memref<!tpu.dma_semaphore, #tpu.memory_space<semaphore_mem>>
      %dma_start3A = tpu.memref_slice %arg8[%add3A_81] : memref<1048576xf32, #tpu.memory_space<vmem_shared>> -> memref<8192xf32, #tpu.memory_space<vmem_shared>>
      %dma_start3A_735 = tpu.memref_slice %arg8[%add3A_81] : memref<1048576xf32, #tpu.memory_space<vmem_shared>> -> memref<8192xf32, #tpu.memory_space<vmem_shared>>
      tpu.enqueue_dma source(%arg7 : memref<8192xf32, #tpu.memory_space<vmem>>) target(%dma_start3A_735 : memref<8192xf32, #tpu.memory_space<vmem_shared>>) target_semaphore(%run_scoped3A_734 : memref<!tpu.dma_semaphore, #tpu.memory_space<semaphore_mem>>)
      %dma_wait3A = tpu.memref_slice %arg8[%add3A_81] : memref<1048576xf32, #tpu.memory_space<vmem_shared>> -> memref<8192xf32, #tpu.memory_space<vmem_shared>>
      %dma_wait3A_736 = tpu.memref_slice %arg8[%add3A_81] : memref<1048576xf32, #tpu.memory_space<vmem_shared>> -> memref<8192xf32, #tpu.memory_space<vmem_shared>>
      tpu.wait_dma2 semaphore(%run_scoped3A_734 : memref<!tpu.dma_semaphore, #tpu.memory_space<semaphore_mem>>) src(%arg7 : memref<8192xf32, #tpu.memory_space<vmem>>) dst(%dma_wait3A_736 : memref<8192xf32, #tpu.memory_space<vmem_shared>>)
      tpu.yield
    }) : () -> ()
    %barrier3A = arith.constant 0 : index
    tpu.barrier barrier_id(%barrier3A)
    %mul3A_82 = arith.constant 16 : i32
    %mul3A_83 = arith.muli %arg0, %mul3A_82 : i32
    %add3A_84 = arith.addi %mul3A_83, %arg1 : i32
    %mul3A_85 = arith.constant 512 : i32
    %mul3A_86 = arith.muli %add3A_84, %mul3A_85 : i32
    "tpu.region"() ({
      %run_scoped3A_734 = tpu.sem_alloc : memref<!tpu.dma_semaphore, #tpu.memory_space<semaphore_mem>>
      %dma_start3A = arith.constant 0 : i32
      %dma_start3A_735 = tpu.memref_slice %arg2[%dma_start3A, %mul3A_86] : memref<2x16384xi32, #tpu.memory_space<hbm>> -> memref<2x512xi32, #tpu.memory_space<hbm>>
      %dma_start3A_736 = arith.constant 0 : i32
      %dma_start3A_737 = tpu.memref_slice %arg2[%dma_start3A_736, %mul3A_86] : memref<2x16384xi32, #tpu.memory_space<hbm>> -> memref<2x512xi32, #tpu.memory_space<hbm>>
      tpu.enqueue_dma source(%dma_start3A_737 : memref<2x512xi32, #tpu.memory_space<hbm>>) target(%arg4 : memref<2x512xi32, #tpu.memory_space<vmem>>) target_semaphore(%run_scoped3A_734 : memref<!tpu.dma_semaphore, #tpu.memory_space<semaphore_mem>>)
      %dma_wait3A = arith.constant 0 : i32
      %dma_wait3A_738 = tpu.memref_slice %arg2[%dma_wait3A, %mul3A_86] : memref<2x16384xi32, #tpu.memory_space<hbm>> -> memref<2x512xi32, #tpu.memory_space<hbm>>
      %dma_wait3A_739 = arith.constant 0 : i32
      %dma_wait3A_740 = tpu.memref_slice %arg2[%dma_wait3A_739, %mul3A_86] : memref<2x16384xi32, #tpu.memory_space<hbm>> -> memref<2x512xi32, #tpu.memory_space<hbm>>
      tpu.wait_dma2 semaphore(%run_scoped3A_734 : memref<!tpu.dma_semaphore, #tpu.memory_space<semaphore_mem>>) src(%dma_wait3A_740 : memref<2x512xi32, #tpu.memory_space<hbm>>) dst(%arg4 : memref<2x512xi32, #tpu.memory_space<vmem>>)
      tpu.yield
    }) : () -> ()
    %get3A = arith.constant 0 : i32
    %get3A_87 = arith.index_cast %get3A : i32 to index
    %get3A_88 = arith.constant 0 : index
    %get3A_89 = tpu.vector_load %arg4[%get3A_87, %get3A_88] {strides = array<i32>} : memref<2x512xi32, #tpu.memory_space<vmem>>, vector<1x16xi32>,
    %get3A_90 = vector.shape_cast %get3A_89 : vector<1x16xi32> to vector<16xi32>
    %get3A_91 = arith.constant 1 : i32
    %get3A_92 = arith.index_cast %get3A_91 : i32 to index
    %get3A_93 = arith.constant 0 : index
    %get3A_94 = tpu.vector_load %arg4[%get3A_92, %get3A_93] {strides = array<i32>} : memref<2x512xi32, #tpu.memory_space<vmem>>, vector<1x16xi32>,
    %get3A_95 = vector.shape_cast %get3A_94 : vector<1x16xi32> to vector<16xi32>
    %mul3A_96 = arith.constant 1024 : i32
    %mul3A_97 = vector.broadcast %mul3A_96 : i32 to vector<16xi32>
    %mul3A_98 = arith.muli %get3A_95, %mul3A_97 : vector<16xi32>
    %add3A_99 = arith.addi %mul3A_98, %get3A_90 : vector<16xi32>
    %swap3A_100 = arith.constant 0 : i32
    %swap3A_101 = arith.index_cast %swap3A_100 : i32 to index
    %swap3A_102 = arith.constant 0 : index
    %swap3A_103 = tpu.vector_load %arg5[%swap3A_101, %swap3A_102] {strides = array<i32>} : memref<4x128xi32, #tpu.memory_space<vmem>>, vector<1x16xi32>,
    %swap3A_104 = vector.shape_cast %swap3A_103 : vector<1x16xi32> to vector<16xi32>
    %swap3A_105 = vector.shape_cast %add3A_99 : vector<16xi32> to vector<1x16xi32>
    tpu.vector_store %arg5[%swap3A_101, %swap3A_102], %swap3A_105 {strides = array<i32>} : memref<4x128xi32, #tpu.memory_space<vmem>>, vector<1x16xi32>,
    %get3A_106 = arith.constant 0 : i32
    %get3A_107 = arith.index_cast %get3A_106 : i32 to index
    %get3A_108 = arith.constant 16 : index
    %get3A_109 = tpu.vector_load %arg4[%get3A_107, %get3A_108] {strides = array<i32>} : memref<2x512xi32, #tpu.memory_space<vmem>>, vector<1x16xi32>,
    %get3A_110 = vector.shape_cast %get3A_109 : vector<1x16xi32> to vector<16xi32>
    %get3A_111 = arith.constant 1 : i32
    %get3A_112 = arith.index_cast %get3A_111 : i32 to index
    %get3A_113 = arith.constant 16 : index
    %get3A_114 = tpu.vector_load %arg4[%get3A_112, %get3A_113] {strides = array<i32>} : memref<2x512xi32, #tpu.memory_space<vmem>>, vector<1x16xi32>,
    %get3A_115 = vector.shape_cast %get3A_114 : vector<1x16xi32> to vector<16xi32>
    %mul3A_116 = arith.constant 1024 : i32
    %mul3A_117 = vector.broadcast %mul3A_116 : i32 to vector<16xi32>
    %mul3A_118 = arith.muli %get3A_115, %mul3A_117 : vector<16xi32>
    %add3A_119 = arith.addi %mul3A_118, %get3A_110 : vector<16xi32>
    %swap3A_120 = arith.constant 0 : i32
    %swap3A_121 = arith.index_cast %swap3A_120 : i32 to index
    %swap3A_122 = arith.constant 16 : index
    %swap3A_123 = tpu.vector_load %arg5[%swap3A_121, %swap3A_122] {strides = array<i32>} : memref<4x128xi32, #tpu.memory_space<vmem>>, vector<1x16xi32>,
    %swap3A_124 = vector.shape_cast %swap3A_123 : vector<1x16xi32> to vector<16xi32>
    %swap3A_125 = vector.shape_cast %add3A_119 : vector<16xi32> to vector<1x16xi32>
    tpu.vector_store %arg5[%swap3A_121, %swap3A_122], %swap3A_125 {strides = array<i32>} : memref<4x128xi32, #tpu.memory_space<vmem>>, vector<1x16xi32>,
    %get3A_126 = arith.constant 0 : i32
    %get3A_127 = arith.index_cast %get3A_126 : i32 to index
    %get3A_128 = arith.constant 32 : index
    %get3A_129 = tpu.vector_load %arg4[%get3A_127, %get3A_128] {strides = array<i32>} : memref<2x512xi32, #tpu.memory_space<vmem>>, vector<1x16xi32>,
    %get3A_130 = vector.shape_cast %get3A_129 : vector<1x16xi32> to vector<16xi32>
    %get3A_131 = arith.constant 1 : i32
    %get3A_132 = arith.index_cast %get3A_131 : i32 to index
    %get3A_133 = arith.constant 32 : index
    %get3A_134 = tpu.vector_load %arg4[%get3A_132, %get3A_133] {strides = array<i32>} : memref<2x512xi32, #tpu.memory_space<vmem>>, vector<1x16xi32>,
    %get3A_135 = vector.shape_cast %get3A_134 : vector<1x16xi32> to vector<16xi32>
    %mul3A_136 = arith.constant 1024 : i32
    %mul3A_137 = vector.broadcast %mul3A_136 : i32 to vector<16xi32>
    %mul3A_138 = arith.muli %get3A_135, %mul3A_137 : vector<16xi32>
    %add3A_139 = arith.addi %mul3A_138, %get3A_130 : vector<16xi32>
    %swap3A_140 = arith.constant 0 : i32
    %swap3A_141 = arith.index_cast %swap3A_140 : i32 to index
    %swap3A_142 = arith.constant 32 : index
    %swap3A_143 = tpu.vector_load %arg5[%swap3A_141, %swap3A_142] {strides = array<i32>} : memref<4x128xi32, #tpu.memory_space<vmem>>, vector<1x16xi32>,
    %swap3A_144 = vector.shape_cast %swap3A_143 : vector<1x16xi32> to vector<16xi32>
    %swap3A_145 = vector.shape_cast %add3A_139 : vector<16xi32> to vector<1x16xi32>
    tpu.vector_store %arg5[%swap3A_141, %swap3A_142], %swap3A_145 {strides = array<i32>} : memref<4x128xi32, #tpu.memory_space<vmem>>, vector<1x16xi32>,
    %get3A_146 = arith.constant 0 : i32
    %get3A_147 = arith.index_cast %get3A_146 : i32 to index
    %get3A_148 = arith.constant 48 : index
    %get3A_149 = tpu.vector_load %arg4[%get3A_147, %get3A_148] {strides = array<i32>} : memref<2x512xi32, #tpu.memory_space<vmem>>, vector<1x16xi32>,
    %get3A_150 = vector.shape_cast %get3A_149 : vector<1x16xi32> to vector<16xi32>
    %get3A_151 = arith.constant 1 : i32
    %get3A_152 = arith.index_cast %get3A_151 : i32 to index
    %get3A_153 = arith.constant 48 : index
    %get3A_154 = tpu.vector_load %arg4[%get3A_152, %get3A_153] {strides = array<i32>} : memref<2x512xi32, #tpu.memory_space<vmem>>, vector<1x16xi32>,
    %get3A_155 = vector.shape_cast %get3A_154 : vector<1x16xi32> to vector<16xi32>
    %mul3A_156 = arith.constant 1024 : i32
    %mul3A_157 = vector.broadcast %mul3A_156 : i32 to vector<16xi32>
    %mul3A_158 = arith.muli %get3A_155, %mul3A_157 : vector<16xi32>
    %add3A_159 = arith.addi %mul3A_158, %get3A_150 : vector<16xi32>
    %swap3A_160 = arith.constant 0 : i32
    %swap3A_161 = arith.index_cast %swap3A_160 : i32 to index
    %swap3A_162 = arith.constant 48 : index
    %swap3A_163 = tpu.vector_load %arg5[%swap3A_161, %swap3A_162] {strides = array<i32>} : memref<4x128xi32, #tpu.memory_space<vmem>>, vector<1x16xi32>,
    %swap3A_164 = vector.shape_cast %swap3A_163 : vector<1x16xi32> to vector<16xi32>
    %swap3A_165 = vector.shape_cast %add3A_159 : vector<16xi32> to vector<1x16xi32>
    tpu.vector_store %arg5[%swap3A_161, %swap3A_162], %swap3A_165 {strides = array<i32>} : memref<4x128xi32, #tpu.memory_space<vmem>>, vector<1x16xi32>,
    %get3A_166 = arith.constant 0 : i32
    %get3A_167 = arith.index_cast %get3A_166 : i32 to index
    %get3A_168 = arith.constant 64 : index
    %get3A_169 = tpu.vector_load %arg4[%get3A_167, %get3A_168] {strides = array<i32>} : memref<2x512xi32, #tpu.memory_space<vmem>>, vector<1x16xi32>,
    %get3A_170 = vector.shape_cast %get3A_169 : vector<1x16xi32> to vector<16xi32>
    %get3A_171 = arith.constant 1 : i32
    %get3A_172 = arith.index_cast %get3A_171 : i32 to index
    %get3A_173 = arith.constant 64 : index
    %get3A_174 = tpu.vector_load %arg4[%get3A_172, %get3A_173] {strides = array<i32>} : memref<2x512xi32, #tpu.memory_space<vmem>>, vector<1x16xi32>,
    %get3A_175 = vector.shape_cast %get3A_174 : vector<1x16xi32> to vector<16xi32>
    %mul3A_176 = arith.constant 1024 : i32
    %mul3A_177 = vector.broadcast %mul3A_176 : i32 to vector<16xi32>
    %mul3A_178 = arith.muli %get3A_175, %mul3A_177 : vector<16xi32>
    %add3A_179 = arith.addi %mul3A_178, %get3A_170 : vector<16xi32>
    %swap3A_180 = arith.constant 0 : i32
    %swap3A_181 = arith.index_cast %swap3A_180 : i32 to index
    %swap3A_182 = arith.constant 64 : index
    %swap3A_183 = tpu.vector_load %arg5[%swap3A_181, %swap3A_182] {strides = array<i32>} : memref<4x128xi32, #tpu.memory_space<vmem>>, vector<1x16xi32>,
    %swap3A_184 = vector.shape_cast %swap3A_183 : vector<1x16xi32> to vector<16xi32>
    %swap3A_185 = vector.shape_cast %add3A_179 : vector<16xi32> to vector<1x16xi32>
    tpu.vector_store %arg5[%swap3A_181, %swap3A_182], %swap3A_185 {strides = array<i32>} : memref<4x128xi32, #tpu.memory_space<vmem>>, vector<1x16xi32>,
    %get3A_186 = arith.constant 0 : i32
    %get3A_187 = arith.index_cast %get3A_186 : i32 to index
    %get3A_188 = arith.constant 80 : index
    %get3A_189 = tpu.vector_load %arg4[%get3A_187, %get3A_188] {strides = array<i32>} : memref<2x512xi32, #tpu.memory_space<vmem>>, vector<1x16xi32>,
    %get3A_190 = vector.shape_cast %get3A_189 : vector<1x16xi32> to vector<16xi32>
    %get3A_191 = arith.constant 1 : i32
    %get3A_192 = arith.index_cast %get3A_191 : i32 to index
    %get3A_193 = arith.constant 80 : index
    %get3A_194 = tpu.vector_load %arg4[%get3A_192, %get3A_193] {strides = array<i32>} : memref<2x512xi32, #tpu.memory_space<vmem>>, vector<1x16xi32>,
    %get3A_195 = vector.shape_cast %get3A_194 : vector<1x16xi32> to vector<16xi32>
    %mul3A_196 = arith.constant 1024 : i32
    %mul3A_197 = vector.broadcast %mul3A_196 : i32 to vector<16xi32>
    %mul3A_198 = arith.muli %get3A_195, %mul3A_197 : vector<16xi32>
    %add3A_199 = arith.addi %mul3A_198, %get3A_190 : vector<16xi32>
    %swap3A_200 = arith.constant 0 : i32
    %swap3A_201 = arith.index_cast %swap3A_200 : i32 to index
    %swap3A_202 = arith.constant 80 : index
    %swap3A_203 = tpu.vector_load %arg5[%swap3A_201, %swap3A_202] {strides = array<i32>} : memref<4x128xi32, #tpu.memory_space<vmem>>, vector<1x16xi32>,
    %swap3A_204 = vector.shape_cast %swap3A_203 : vector<1x16xi32> to vector<16xi32>
    %swap3A_205 = vector.shape_cast %add3A_199 : vector<16xi32> to vector<1x16xi32>
    tpu.vector_store %arg5[%swap3A_201, %swap3A_202], %swap3A_205 {strides = array<i32>} : memref<4x128xi32, #tpu.memory_space<vmem>>, vector<1x16xi32>,
    %get3A_206 = arith.constant 0 : i32
    %get3A_207 = arith.index_cast %get3A_206 : i32 to index
    %get3A_208 = arith.constant 96 : index
    %get3A_209 = tpu.vector_load %arg4[%get3A_207, %get3A_208] {strides = array<i32>} : memref<2x512xi32, #tpu.memory_space<vmem>>, vector<1x16xi32>,
    %get3A_210 = vector.shape_cast %get3A_209 : vector<1x16xi32> to vector<16xi32>
    %get3A_211 = arith.constant 1 : i32
    %get3A_212 = arith.index_cast %get3A_211 : i32 to index
    %get3A_213 = arith.constant 96 : index
    %get3A_214 = tpu.vector_load %arg4[%get3A_212, %get3A_213] {strides = array<i32>} : memref<2x512xi32, #tpu.memory_space<vmem>>, vector<1x16xi32>,
    %get3A_215 = vector.shape_cast %get3A_214 : vector<1x16xi32> to vector<16xi32>
    %mul3A_216 = arith.constant 1024 : i32
    %mul3A_217 = vector.broadcast %mul3A_216 : i32 to vector<16xi32>
    %mul3A_218 = arith.muli %get3A_215, %mul3A_217 : vector<16xi32>
    %add3A_219 = arith.addi %mul3A_218, %get3A_210 : vector<16xi32>
    %swap3A_220 = arith.constant 0 : i32
    %swap3A_221 = arith.index_cast %swap3A_220 : i32 to index
    %swap3A_222 = arith.constant 96 : index
    %swap3A_223 = tpu.vector_load %arg5[%swap3A_221, %swap3A_222] {strides = array<i32>} : memref<4x128xi32, #tpu.memory_space<vmem>>, vector<1x16xi32>,
    %swap3A_224 = vector.shape_cast %swap3A_223 : vector<1x16xi32> to vector<16xi32>
    %swap3A_225 = vector.shape_cast %add3A_219 : vector<16xi32> to vector<1x16xi32>
    tpu.vector_store %arg5[%swap3A_221, %swap3A_222], %swap3A_225 {strides = array<i32>} : memref<4x128xi32, #tpu.memory_space<vmem>>, vector<1x16xi32>,
    %get3A_226 = arith.constant 0 : i32
    %get3A_227 = arith.index_cast %get3A_226 : i32 to index
    %get3A_228 = arith.constant 112 : index
    %get3A_229 = tpu.vector_load %arg4[%get3A_227, %get3A_228] {strides = array<i32>} : memref<2x512xi32, #tpu.memory_space<vmem>>, vector<1x16xi32>,
    %get3A_230 = vector.shape_cast %get3A_229 : vector<1x16xi32> to vector<16xi32>
    %get3A_231 = arith.constant 1 : i32
    %get3A_232 = arith.index_cast %get3A_231 : i32 to index
    %get3A_233 = arith.constant 112 : index
    %get3A_234 = tpu.vector_load %arg4[%get3A_232, %get3A_233] {strides = array<i32>} : memref<2x512xi32, #tpu.memory_space<vmem>>, vector<1x16xi32>,
    %get3A_235 = vector.shape_cast %get3A_234 : vector<1x16xi32> to vector<16xi32>
    %mul3A_236 = arith.constant 1024 : i32
    %mul3A_237 = vector.broadcast %mul3A_236 : i32 to vector<16xi32>
    %mul3A_238 = arith.muli %get3A_235, %mul3A_237 : vector<16xi32>
    %add3A_239 = arith.addi %mul3A_238, %get3A_230 : vector<16xi32>
    %swap3A_240 = arith.constant 0 : i32
    %swap3A_241 = arith.index_cast %swap3A_240 : i32 to index
    %swap3A_242 = arith.constant 112 : index
    %swap3A_243 = tpu.vector_load %arg5[%swap3A_241, %swap3A_242] {strides = array<i32>} : memref<4x128xi32, #tpu.memory_space<vmem>>, vector<1x16xi32>,
    %swap3A_244 = vector.shape_cast %swap3A_243 : vector<1x16xi32> to vector<16xi32>
    %swap3A_245 = vector.shape_cast %add3A_239 : vector<16xi32> to vector<1x16xi32>
    tpu.vector_store %arg5[%swap3A_241, %swap3A_242], %swap3A_245 {strides = array<i32>} : memref<4x128xi32, #tpu.memory_space<vmem>>, vector<1x16xi32>,
    %get3A_246 = arith.constant 0 : i32
    %get3A_247 = arith.index_cast %get3A_246 : i32 to index
    %get3A_248 = arith.constant 128 : index
    %get3A_249 = tpu.vector_load %arg4[%get3A_247, %get3A_248] {strides = array<i32>} : memref<2x512xi32, #tpu.memory_space<vmem>>, vector<1x16xi32>,
    %get3A_250 = vector.shape_cast %get3A_249 : vector<1x16xi32> to vector<16xi32>
    %get3A_251 = arith.constant 1 : i32
    %get3A_252 = arith.index_cast %get3A_251 : i32 to index
    %get3A_253 = arith.constant 128 : index
    %get3A_254 = tpu.vector_load %arg4[%get3A_252, %get3A_253] {strides = array<i32>} : memref<2x512xi32, #tpu.memory_space<vmem>>, vector<1x16xi32>,
    %get3A_255 = vector.shape_cast %get3A_254 : vector<1x16xi32> to vector<16xi32>
    %mul3A_256 = arith.constant 1024 : i32
    %mul3A_257 = vector.broadcast %mul3A_256 : i32 to vector<16xi32>
    %mul3A_258 = arith.muli %get3A_255, %mul3A_257 : vector<16xi32>
    %add3A_259 = arith.addi %mul3A_258, %get3A_250 : vector<16xi32>
    %swap3A_260 = arith.constant 1 : i32
    %swap3A_261 = arith.index_cast %swap3A_260 : i32 to index
    %swap3A_262 = arith.constant 0 : index
    %swap3A_263 = tpu.vector_load %arg5[%swap3A_261, %swap3A_262] {strides = array<i32>} : memref<4x128xi32, #tpu.memory_space<vmem>>, vector<1x16xi32>,
    %swap3A_264 = vector.shape_cast %swap3A_263 : vector<1x16xi32> to vector<16xi32>
    %swap3A_265 = vector.shape_cast %add3A_259 : vector<16xi32> to vector<1x16xi32>
    tpu.vector_store %arg5[%swap3A_261, %swap3A_262], %swap3A_265 {strides = array<i32>} : memref<4x128xi32, #tpu.memory_space<vmem>>, vector<1x16xi32>,
    %get3A_266 = arith.constant 0 : i32
    %get3A_267 = arith.index_cast %get3A_266 : i32 to index
    %get3A_268 = arith.constant 144 : index
    %get3A_269 = tpu.vector_load %arg4[%get3A_267, %get3A_268] {strides = array<i32>} : memref<2x512xi32, #tpu.memory_space<vmem>>, vector<1x16xi32>,
    %get3A_270 = vector.shape_cast %get3A_269 : vector<1x16xi32> to vector<16xi32>
    %get3A_271 = arith.constant 1 : i32
    %get3A_272 = arith.index_cast %get3A_271 : i32 to index
    %get3A_273 = arith.constant 144 : index
    %get3A_274 = tpu.vector_load %arg4[%get3A_272, %get3A_273] {strides = array<i32>} : memref<2x512xi32, #tpu.memory_space<vmem>>, vector<1x16xi32>,
    %get3A_275 = vector.shape_cast %get3A_274 : vector<1x16xi32> to vector<16xi32>
    %mul3A_276 = arith.constant 1024 : i32
    %mul3A_277 = vector.broadcast %mul3A_276 : i32 to vector<16xi32>
    %mul3A_278 = arith.muli %get3A_275, %mul3A_277 : vector<16xi32>
    %add3A_279 = arith.addi %mul3A_278, %get3A_270 : vector<16xi32>
    %swap3A_280 = arith.constant 1 : i32
    %swap3A_281 = arith.index_cast %swap3A_280 : i32 to index
    %swap3A_282 = arith.constant 16 : index
    %swap3A_283 = tpu.vector_load %arg5[%swap3A_281, %swap3A_282] {strides = array<i32>} : memref<4x128xi32, #tpu.memory_space<vmem>>, vector<1x16xi32>,
    %swap3A_284 = vector.shape_cast %swap3A_283 : vector<1x16xi32> to vector<16xi32>
    %swap3A_285 = vector.shape_cast %add3A_279 : vector<16xi32> to vector<1x16xi32>
    tpu.vector_store %arg5[%swap3A_281, %swap3A_282], %swap3A_285 {strides = array<i32>} : memref<4x128xi32, #tpu.memory_space<vmem>>, vector<1x16xi32>,
    %get3A_286 = arith.constant 0 : i32
    %get3A_287 = arith.index_cast %get3A_286 : i32 to index
    %get3A_288 = arith.constant 160 : index
    %get3A_289 = tpu.vector_load %arg4[%get3A_287, %get3A_288] {strides = array<i32>} : memref<2x512xi32, #tpu.memory_space<vmem>>, vector<1x16xi32>,
    %get3A_290 = vector.shape_cast %get3A_289 : vector<1x16xi32> to vector<16xi32>
    %get3A_291 = arith.constant 1 : i32
    %get3A_292 = arith.index_cast %get3A_291 : i32 to index
    %get3A_293 = arith.constant 160 : index
    %get3A_294 = tpu.vector_load %arg4[%get3A_292, %get3A_293] {strides = array<i32>} : memref<2x512xi32, #tpu.memory_space<vmem>>, vector<1x16xi32>,
    %get3A_295 = vector.shape_cast %get3A_294 : vector<1x16xi32> to vector<16xi32>
    %mul3A_296 = arith.constant 1024 : i32
    %mul3A_297 = vector.broadcast %mul3A_296 : i32 to vector<16xi32>
    %mul3A_298 = arith.muli %get3A_295, %mul3A_297 : vector<16xi32>
    %add3A_299 = arith.addi %mul3A_298, %get3A_290 : vector<16xi32>
    %swap3A_300 = arith.constant 1 : i32
    %swap3A_301 = arith.index_cast %swap3A_300 : i32 to index
    %swap3A_302 = arith.constant 32 : index
    %swap3A_303 = tpu.vector_load %arg5[%swap3A_301, %swap3A_302] {strides = array<i32>} : memref<4x128xi32, #tpu.memory_space<vmem>>, vector<1x16xi32>,
    %swap3A_304 = vector.shape_cast %swap3A_303 : vector<1x16xi32> to vector<16xi32>
    %swap3A_305 = vector.shape_cast %add3A_299 : vector<16xi32> to vector<1x16xi32>
    tpu.vector_store %arg5[%swap3A_301, %swap3A_302], %swap3A_305 {strides = array<i32>} : memref<4x128xi32, #tpu.memory_space<vmem>>, vector<1x16xi32>,
    %get3A_306 = arith.constant 0 : i32
    %get3A_307 = arith.index_cast %get3A_306 : i32 to index
    %get3A_308 = arith.constant 176 : index
    %get3A_309 = tpu.vector_load %arg4[%get3A_307, %get3A_308] {strides = array<i32>} : memref<2x512xi32, #tpu.memory_space<vmem>>, vector<1x16xi32>,
    %get3A_310 = vector.shape_cast %get3A_309 : vector<1x16xi32> to vector<16xi32>
    %get3A_311 = arith.constant 1 : i32
    %get3A_312 = arith.index_cast %get3A_311 : i32 to index
    %get3A_313 = arith.constant 176 : index
    %get3A_314 = tpu.vector_load %arg4[%get3A_312, %get3A_313] {strides = array<i32>} : memref<2x512xi32, #tpu.memory_space<vmem>>, vector<1x16xi32>,
    %get3A_315 = vector.shape_cast %get3A_314 : vector<1x16xi32> to vector<16xi32>
    %mul3A_316 = arith.constant 1024 : i32
    %mul3A_317 = vector.broadcast %mul3A_316 : i32 to vector<16xi32>
    %mul3A_318 = arith.muli %get3A_315, %mul3A_317 : vector<16xi32>
    %add3A_319 = arith.addi %mul3A_318, %get3A_310 : vector<16xi32>
    %swap3A_320 = arith.constant 1 : i32
    %swap3A_321 = arith.index_cast %swap3A_320 : i32 to index
    %swap3A_322 = arith.constant 48 : index
    %swap3A_323 = tpu.vector_load %arg5[%swap3A_321, %swap3A_322] {strides = array<i32>} : memref<4x128xi32, #tpu.memory_space<vmem>>, vector<1x16xi32>,
    %swap3A_324 = vector.shape_cast %swap3A_323 : vector<1x16xi32> to vector<16xi32>
    %swap3A_325 = vector.shape_cast %add3A_319 : vector<16xi32> to vector<1x16xi32>
    tpu.vector_store %arg5[%swap3A_321, %swap3A_322], %swap3A_325 {strides = array<i32>} : memref<4x128xi32, #tpu.memory_space<vmem>>, vector<1x16xi32>,
    %get3A_326 = arith.constant 0 : i32
    %get3A_327 = arith.index_cast %get3A_326 : i32 to index
    %get3A_328 = arith.constant 192 : index
    %get3A_329 = tpu.vector_load %arg4[%get3A_327, %get3A_328] {strides = array<i32>} : memref<2x512xi32, #tpu.memory_space<vmem>>, vector<1x16xi32>,
    %get3A_330 = vector.shape_cast %get3A_329 : vector<1x16xi32> to vector<16xi32>
    %get3A_331 = arith.constant 1 : i32
    %get3A_332 = arith.index_cast %get3A_331 : i32 to index
    %get3A_333 = arith.constant 192 : index
    %get3A_334 = tpu.vector_load %arg4[%get3A_332, %get3A_333] {strides = array<i32>} : memref<2x512xi32, #tpu.memory_space<vmem>>, vector<1x16xi32>,
    %get3A_335 = vector.shape_cast %get3A_334 : vector<1x16xi32> to vector<16xi32>
    %mul3A_336 = arith.constant 1024 : i32
    %mul3A_337 = vector.broadcast %mul3A_336 : i32 to vector<16xi32>
    %mul3A_338 = arith.muli %get3A_335, %mul3A_337 : vector<16xi32>
    %add3A_339 = arith.addi %mul3A_338, %get3A_330 : vector<16xi32>
    %swap3A_340 = arith.constant 1 : i32
    %swap3A_341 = arith.index_cast %swap3A_340 : i32 to index
    %swap3A_342 = arith.constant 64 : index
    %swap3A_343 = tpu.vector_load %arg5[%swap3A_341, %swap3A_342] {strides = array<i32>} : memref<4x128xi32, #tpu.memory_space<vmem>>, vector<1x16xi32>,
    %swap3A_344 = vector.shape_cast %swap3A_343 : vector<1x16xi32> to vector<16xi32>
    %swap3A_345 = vector.shape_cast %add3A_339 : vector<16xi32> to vector<1x16xi32>
    tpu.vector_store %arg5[%swap3A_341, %swap3A_342], %swap3A_345 {strides = array<i32>} : memref<4x128xi32, #tpu.memory_space<vmem>>, vector<1x16xi32>,
    %get3A_346 = arith.constant 0 : i32
    %get3A_347 = arith.index_cast %get3A_346 : i32 to index
    %get3A_348 = arith.constant 208 : index
    %get3A_349 = tpu.vector_load %arg4[%get3A_347, %get3A_348] {strides = array<i32>} : memref<2x512xi32, #tpu.memory_space<vmem>>, vector<1x16xi32>,
    %get3A_350 = vector.shape_cast %get3A_349 : vector<1x16xi32> to vector<16xi32>
    %get3A_351 = arith.constant 1 : i32
    %get3A_352 = arith.index_cast %get3A_351 : i32 to index
    %get3A_353 = arith.constant 208 : index
    %get3A_354 = tpu.vector_load %arg4[%get3A_352, %get3A_353] {strides = array<i32>} : memref<2x512xi32, #tpu.memory_space<vmem>>, vector<1x16xi32>,
    %get3A_355 = vector.shape_cast %get3A_354 : vector<1x16xi32> to vector<16xi32>
    %mul3A_356 = arith.constant 1024 : i32
    %mul3A_357 = vector.broadcast %mul3A_356 : i32 to vector<16xi32>
    %mul3A_358 = arith.muli %get3A_355, %mul3A_357 : vector<16xi32>
    %add3A_359 = arith.addi %mul3A_358, %get3A_350 : vector<16xi32>
    %swap3A_360 = arith.constant 1 : i32
    %swap3A_361 = arith.index_cast %swap3A_360 : i32 to index
    %swap3A_362 = arith.constant 80 : index
    %swap3A_363 = tpu.vector_load %arg5[%swap3A_361, %swap3A_362] {strides = array<i32>} : memref<4x128xi32, #tpu.memory_space<vmem>>, vector<1x16xi32>,
    %swap3A_364 = vector.shape_cast %swap3A_363 : vector<1x16xi32> to vector<16xi32>
    %swap3A_365 = vector.shape_cast %add3A_359 : vector<16xi32> to vector<1x16xi32>
    tpu.vector_store %arg5[%swap3A_361, %swap3A_362], %swap3A_365 {strides = array<i32>} : memref<4x128xi32, #tpu.memory_space<vmem>>, vector<1x16xi32>,
    %get3A_366 = arith.constant 0 : i32
    %get3A_367 = arith.index_cast %get3A_366 : i32 to index
    %get3A_368 = arith.constant 224 : index
    %get3A_369 = tpu.vector_load %arg4[%get3A_367, %get3A_368] {strides = array<i32>} : memref<2x512xi32, #tpu.memory_space<vmem>>, vector<1x16xi32>,
    %get3A_370 = vector.shape_cast %get3A_369 : vector<1x16xi32> to vector<16xi32>
    %get3A_371 = arith.constant 1 : i32
    %get3A_372 = arith.index_cast %get3A_371 : i32 to index
    %get3A_373 = arith.constant 224 : index
    %get3A_374 = tpu.vector_load %arg4[%get3A_372, %get3A_373] {strides = array<i32>} : memref<2x512xi32, #tpu.memory_space<vmem>>, vector<1x16xi32>,
    %get3A_375 = vector.shape_cast %get3A_374 : vector<1x16xi32> to vector<16xi32>
    %mul3A_376 = arith.constant 1024 : i32
    %mul3A_377 = vector.broadcast %mul3A_376 : i32 to vector<16xi32>
    %mul3A_378 = arith.muli %get3A_375, %mul3A_377 : vector<16xi32>
    %add3A_379 = arith.addi %mul3A_378, %get3A_370 : vector<16xi32>
    %swap3A_380 = arith.constant 1 : i32
    %swap3A_381 = arith.index_cast %swap3A_380 : i32 to index
    %swap3A_382 = arith.constant 96 : index
    %swap3A_383 = tpu.vector_load %arg5[%swap3A_381, %swap3A_382] {strides = array<i32>} : memref<4x128xi32, #tpu.memory_space<vmem>>, vector<1x16xi32>,
    %swap3A_384 = vector.shape_cast %swap3A_383 : vector<1x16xi32> to vector<16xi32>
    %swap3A_385 = vector.shape_cast %add3A_379 : vector<16xi32> to vector<1x16xi32>
    tpu.vector_store %arg5[%swap3A_381, %swap3A_382], %swap3A_385 {strides = array<i32>} : memref<4x128xi32, #tpu.memory_space<vmem>>, vector<1x16xi32>,
    %get3A_386 = arith.constant 0 : i32
    %get3A_387 = arith.index_cast %get3A_386 : i32 to index
    %get3A_388 = arith.constant 240 : index
    %get3A_389 = tpu.vector_load %arg4[%get3A_387, %get3A_388] {strides = array<i32>} : memref<2x512xi32, #tpu.memory_space<vmem>>, vector<1x16xi32>,
    %get3A_390 = vector.shape_cast %get3A_389 : vector<1x16xi32> to vector<16xi32>
    %get3A_391 = arith.constant 1 : i32
    %get3A_392 = arith.index_cast %get3A_391 : i32 to index
    %get3A_393 = arith.constant 240 : index
    %get3A_394 = tpu.vector_load %arg4[%get3A_392, %get3A_393] {strides = array<i32>} : memref<2x512xi32, #tpu.memory_space<vmem>>, vector<1x16xi32>,
    %get3A_395 = vector.shape_cast %get3A_394 : vector<1x16xi32> to vector<16xi32>
    %mul3A_396 = arith.constant 1024 : i32
    %mul3A_397 = vector.broadcast %mul3A_396 : i32 to vector<16xi32>
    %mul3A_398 = arith.muli %get3A_395, %mul3A_397 : vector<16xi32>
    %add3A_399 = arith.addi %mul3A_398, %get3A_390 : vector<16xi32>
    %swap3A_400 = arith.constant 1 : i32
    %swap3A_401 = arith.index_cast %swap3A_400 : i32 to index
    %swap3A_402 = arith.constant 112 : index
    %swap3A_403 = tpu.vector_load %arg5[%swap3A_401, %swap3A_402] {strides = array<i32>} : memref<4x128xi32, #tpu.memory_space<vmem>>, vector<1x16xi32>,
    %swap3A_404 = vector.shape_cast %swap3A_403 : vector<1x16xi32> to vector<16xi32>
    %swap3A_405 = vector.shape_cast %add3A_399 : vector<16xi32> to vector<1x16xi32>
    tpu.vector_store %arg5[%swap3A_401, %swap3A_402], %swap3A_405 {strides = array<i32>} : memref<4x128xi32, #tpu.memory_space<vmem>>, vector<1x16xi32>,
    %get3A_406 = arith.constant 0 : i32
    %get3A_407 = arith.index_cast %get3A_406 : i32 to index
    %get3A_408 = arith.constant 256 : index
    %get3A_409 = tpu.vector_load %arg4[%get3A_407, %get3A_408] {strides = array<i32>} : memref<2x512xi32, #tpu.memory_space<vmem>>, vector<1x16xi32>,
    %get3A_410 = vector.shape_cast %get3A_409 : vector<1x16xi32> to vector<16xi32>
    %get3A_411 = arith.constant 1 : i32
    %get3A_412 = arith.index_cast %get3A_411 : i32 to index
    %get3A_413 = arith.constant 256 : index
    %get3A_414 = tpu.vector_load %arg4[%get3A_412, %get3A_413] {strides = array<i32>} : memref<2x512xi32, #tpu.memory_space<vmem>>, vector<1x16xi32>,
    %get3A_415 = vector.shape_cast %get3A_414 : vector<1x16xi32> to vector<16xi32>
    %mul3A_416 = arith.constant 1024 : i32
    %mul3A_417 = vector.broadcast %mul3A_416 : i32 to vector<16xi32>
    %mul3A_418 = arith.muli %get3A_415, %mul3A_417 : vector<16xi32>
    %add3A_419 = arith.addi %mul3A_418, %get3A_410 : vector<16xi32>
    %swap3A_420 = arith.constant 2 : i32
    %swap3A_421 = arith.index_cast %swap3A_420 : i32 to index
    %swap3A_422 = arith.constant 0 : index
    %swap3A_423 = tpu.vector_load %arg5[%swap3A_421, %swap3A_422] {strides = array<i32>} : memref<4x128xi32, #tpu.memory_space<vmem>>, vector<1x16xi32>,
    %swap3A_424 = vector.shape_cast %swap3A_423 : vector<1x16xi32> to vector<16xi32>
    %swap3A_425 = vector.shape_cast %add3A_419 : vector<16xi32> to vector<1x16xi32>
    tpu.vector_store %arg5[%swap3A_421, %swap3A_422], %swap3A_425 {strides = array<i32>} : memref<4x128xi32, #tpu.memory_space<vmem>>, vector<1x16xi32>,
    %get3A_426 = arith.constant 0 : i32
    %get3A_427 = arith.index_cast %get3A_426 : i32 to index
    %get3A_428 = arith.constant 272 : index
    %get3A_429 = tpu.vector_load %arg4[%get3A_427, %get3A_428] {strides = array<i32>} : memref<2x512xi32, #tpu.memory_space<vmem>>, vector<1x16xi32>,
    %get3A_430 = vector.shape_cast %get3A_429 : vector<1x16xi32> to vector<16xi32>
    %get3A_431 = arith.constant 1 : i32
    %get3A_432 = arith.index_cast %get3A_431 : i32 to index
    %get3A_433 = arith.constant 272 : index
    %get3A_434 = tpu.vector_load %arg4[%get3A_432, %get3A_433] {strides = array<i32>} : memref<2x512xi32, #tpu.memory_space<vmem>>, vector<1x16xi32>,
    %get3A_435 = vector.shape_cast %get3A_434 : vector<1x16xi32> to vector<16xi32>
    %mul3A_436 = arith.constant 1024 : i32
    %mul3A_437 = vector.broadcast %mul3A_436 : i32 to vector<16xi32>
    %mul3A_438 = arith.muli %get3A_435, %mul3A_437 : vector<16xi32>
    %add3A_439 = arith.addi %mul3A_438, %get3A_430 : vector<16xi32>
    %swap3A_440 = arith.constant 2 : i32
    %swap3A_441 = arith.index_cast %swap3A_440 : i32 to index
    %swap3A_442 = arith.constant 16 : index
    %swap3A_443 = tpu.vector_load %arg5[%swap3A_441, %swap3A_442] {strides = array<i32>} : memref<4x128xi32, #tpu.memory_space<vmem>>, vector<1x16xi32>,
    %swap3A_444 = vector.shape_cast %swap3A_443 : vector<1x16xi32> to vector<16xi32>
    %swap3A_445 = vector.shape_cast %add3A_439 : vector<16xi32> to vector<1x16xi32>
    tpu.vector_store %arg5[%swap3A_441, %swap3A_442], %swap3A_445 {strides = array<i32>} : memref<4x128xi32, #tpu.memory_space<vmem>>, vector<1x16xi32>,
    %get3A_446 = arith.constant 0 : i32
    %get3A_447 = arith.index_cast %get3A_446 : i32 to index
    %get3A_448 = arith.constant 288 : index
    %get3A_449 = tpu.vector_load %arg4[%get3A_447, %get3A_448] {strides = array<i32>} : memref<2x512xi32, #tpu.memory_space<vmem>>, vector<1x16xi32>,
    %get3A_450 = vector.shape_cast %get3A_449 : vector<1x16xi32> to vector<16xi32>
    %get3A_451 = arith.constant 1 : i32
    %get3A_452 = arith.index_cast %get3A_451 : i32 to index
    %get3A_453 = arith.constant 288 : index
    %get3A_454 = tpu.vector_load %arg4[%get3A_452, %get3A_453] {strides = array<i32>} : memref<2x512xi32, #tpu.memory_space<vmem>>, vector<1x16xi32>,
    %get3A_455 = vector.shape_cast %get3A_454 : vector<1x16xi32> to vector<16xi32>
    %mul3A_456 = arith.constant 1024 : i32
    %mul3A_457 = vector.broadcast %mul3A_456 : i32 to vector<16xi32>
    %mul3A_458 = arith.muli %get3A_455, %mul3A_457 : vector<16xi32>
    %add3A_459 = arith.addi %mul3A_458, %get3A_450 : vector<16xi32>
    %swap3A_460 = arith.constant 2 : i32
    %swap3A_461 = arith.index_cast %swap3A_460 : i32 to index
    %swap3A_462 = arith.constant 32 : index
    %swap3A_463 = tpu.vector_load %arg5[%swap3A_461, %swap3A_462] {strides = array<i32>} : memref<4x128xi32, #tpu.memory_space<vmem>>, vector<1x16xi32>,
    %swap3A_464 = vector.shape_cast %swap3A_463 : vector<1x16xi32> to vector<16xi32>
    %swap3A_465 = vector.shape_cast %add3A_459 : vector<16xi32> to vector<1x16xi32>
    tpu.vector_store %arg5[%swap3A_461, %swap3A_462], %swap3A_465 {strides = array<i32>} : memref<4x128xi32, #tpu.memory_space<vmem>>, vector<1x16xi32>,
    %get3A_466 = arith.constant 0 : i32
    %get3A_467 = arith.index_cast %get3A_466 : i32 to index
    %get3A_468 = arith.constant 304 : index
    %get3A_469 = tpu.vector_load %arg4[%get3A_467, %get3A_468] {strides = array<i32>} : memref<2x512xi32, #tpu.memory_space<vmem>>, vector<1x16xi32>,
    %get3A_470 = vector.shape_cast %get3A_469 : vector<1x16xi32> to vector<16xi32>
    %get3A_471 = arith.constant 1 : i32
    %get3A_472 = arith.index_cast %get3A_471 : i32 to index
    %get3A_473 = arith.constant 304 : index
    %get3A_474 = tpu.vector_load %arg4[%get3A_472, %get3A_473] {strides = array<i32>} : memref<2x512xi32, #tpu.memory_space<vmem>>, vector<1x16xi32>,
    %get3A_475 = vector.shape_cast %get3A_474 : vector<1x16xi32> to vector<16xi32>
    %mul3A_476 = arith.constant 1024 : i32
    %mul3A_477 = vector.broadcast %mul3A_476 : i32 to vector<16xi32>
    %mul3A_478 = arith.muli %get3A_475, %mul3A_477 : vector<16xi32>
    %add3A_479 = arith.addi %mul3A_478, %get3A_470 : vector<16xi32>
    %swap3A_480 = arith.constant 2 : i32
    %swap3A_481 = arith.index_cast %swap3A_480 : i32 to index
    %swap3A_482 = arith.constant 48 : index
    %swap3A_483 = tpu.vector_load %arg5[%swap3A_481, %swap3A_482] {strides = array<i32>} : memref<4x128xi32, #tpu.memory_space<vmem>>, vector<1x16xi32>,
    %swap3A_484 = vector.shape_cast %swap3A_483 : vector<1x16xi32> to vector<16xi32>
    %swap3A_485 = vector.shape_cast %add3A_479 : vector<16xi32> to vector<1x16xi32>
    tpu.vector_store %arg5[%swap3A_481, %swap3A_482], %swap3A_485 {strides = array<i32>} : memref<4x128xi32, #tpu.memory_space<vmem>>, vector<1x16xi32>,
    %get3A_486 = arith.constant 0 : i32
    %get3A_487 = arith.index_cast %get3A_486 : i32 to index
    %get3A_488 = arith.constant 320 : index
    %get3A_489 = tpu.vector_load %arg4[%get3A_487, %get3A_488] {strides = array<i32>} : memref<2x512xi32, #tpu.memory_space<vmem>>, vector<1x16xi32>,
    %get3A_490 = vector.shape_cast %get3A_489 : vector<1x16xi32> to vector<16xi32>
    %get3A_491 = arith.constant 1 : i32
    %get3A_492 = arith.index_cast %get3A_491 : i32 to index
    %get3A_493 = arith.constant 320 : index
    %get3A_494 = tpu.vector_load %arg4[%get3A_492, %get3A_493] {strides = array<i32>} : memref<2x512xi32, #tpu.memory_space<vmem>>, vector<1x16xi32>,
    %get3A_495 = vector.shape_cast %get3A_494 : vector<1x16xi32> to vector<16xi32>
    %mul3A_496 = arith.constant 1024 : i32
    %mul3A_497 = vector.broadcast %mul3A_496 : i32 to vector<16xi32>
    %mul3A_498 = arith.muli %get3A_495, %mul3A_497 : vector<16xi32>
    %add3A_499 = arith.addi %mul3A_498, %get3A_490 : vector<16xi32>
    %swap3A_500 = arith.constant 2 : i32
    %swap3A_501 = arith.index_cast %swap3A_500 : i32 to index
    %swap3A_502 = arith.constant 64 : index
    %swap3A_503 = tpu.vector_load %arg5[%swap3A_501, %swap3A_502] {strides = array<i32>} : memref<4x128xi32, #tpu.memory_space<vmem>>, vector<1x16xi32>,
    %swap3A_504 = vector.shape_cast %swap3A_503 : vector<1x16xi32> to vector<16xi32>
    %swap3A_505 = vector.shape_cast %add3A_499 : vector<16xi32> to vector<1x16xi32>
    tpu.vector_store %arg5[%swap3A_501, %swap3A_502], %swap3A_505 {strides = array<i32>} : memref<4x128xi32, #tpu.memory_space<vmem>>, vector<1x16xi32>,
    %get3A_506 = arith.constant 0 : i32
    %get3A_507 = arith.index_cast %get3A_506 : i32 to index
    %get3A_508 = arith.constant 336 : index
    %get3A_509 = tpu.vector_load %arg4[%get3A_507, %get3A_508] {strides = array<i32>} : memref<2x512xi32, #tpu.memory_space<vmem>>, vector<1x16xi32>,
    %get3A_510 = vector.shape_cast %get3A_509 : vector<1x16xi32> to vector<16xi32>
    %get3A_511 = arith.constant 1 : i32
    %get3A_512 = arith.index_cast %get3A_511 : i32 to index
    %get3A_513 = arith.constant 336 : index
    %get3A_514 = tpu.vector_load %arg4[%get3A_512, %get3A_513] {strides = array<i32>} : memref<2x512xi32, #tpu.memory_space<vmem>>, vector<1x16xi32>,
    %get3A_515 = vector.shape_cast %get3A_514 : vector<1x16xi32> to vector<16xi32>
    %mul3A_516 = arith.constant 1024 : i32
    %mul3A_517 = vector.broadcast %mul3A_516 : i32 to vector<16xi32>
    %mul3A_518 = arith.muli %get3A_515, %mul3A_517 : vector<16xi32>
    %add3A_519 = arith.addi %mul3A_518, %get3A_510 : vector<16xi32>
    %swap3A_520 = arith.constant 2 : i32
    %swap3A_521 = arith.index_cast %swap3A_520 : i32 to index
    %swap3A_522 = arith.constant 80 : index
    %swap3A_523 = tpu.vector_load %arg5[%swap3A_521, %swap3A_522] {strides = array<i32>} : memref<4x128xi32, #tpu.memory_space<vmem>>, vector<1x16xi32>,
    %swap3A_524 = vector.shape_cast %swap3A_523 : vector<1x16xi32> to vector<16xi32>
    %swap3A_525 = vector.shape_cast %add3A_519 : vector<16xi32> to vector<1x16xi32>
    tpu.vector_store %arg5[%swap3A_521, %swap3A_522], %swap3A_525 {strides = array<i32>} : memref<4x128xi32, #tpu.memory_space<vmem>>, vector<1x16xi32>,
    %get3A_526 = arith.constant 0 : i32
    %get3A_527 = arith.index_cast %get3A_526 : i32 to index
    %get3A_528 = arith.constant 352 : index
    %get3A_529 = tpu.vector_load %arg4[%get3A_527, %get3A_528] {strides = array<i32>} : memref<2x512xi32, #tpu.memory_space<vmem>>, vector<1x16xi32>,
    %get3A_530 = vector.shape_cast %get3A_529 : vector<1x16xi32> to vector<16xi32>
    %get3A_531 = arith.constant 1 : i32
    %get3A_532 = arith.index_cast %get3A_531 : i32 to index
    %get3A_533 = arith.constant 352 : index
    %get3A_534 = tpu.vector_load %arg4[%get3A_532, %get3A_533] {strides = array<i32>} : memref<2x512xi32, #tpu.memory_space<vmem>>, vector<1x16xi32>,
    %get3A_535 = vector.shape_cast %get3A_534 : vector<1x16xi32> to vector<16xi32>
    %mul3A_536 = arith.constant 1024 : i32
    %mul3A_537 = vector.broadcast %mul3A_536 : i32 to vector<16xi32>
    %mul3A_538 = arith.muli %get3A_535, %mul3A_537 : vector<16xi32>
    %add3A_539 = arith.addi %mul3A_538, %get3A_530 : vector<16xi32>
    %swap3A_540 = arith.constant 2 : i32
    %swap3A_541 = arith.index_cast %swap3A_540 : i32 to index
    %swap3A_542 = arith.constant 96 : index
    %swap3A_543 = tpu.vector_load %arg5[%swap3A_541, %swap3A_542] {strides = array<i32>} : memref<4x128xi32, #tpu.memory_space<vmem>>, vector<1x16xi32>,
    %swap3A_544 = vector.shape_cast %swap3A_543 : vector<1x16xi32> to vector<16xi32>
    %swap3A_545 = vector.shape_cast %add3A_539 : vector<16xi32> to vector<1x16xi32>
    tpu.vector_store %arg5[%swap3A_541, %swap3A_542], %swap3A_545 {strides = array<i32>} : memref<4x128xi32, #tpu.memory_space<vmem>>, vector<1x16xi32>,
    %get3A_546 = arith.constant 0 : i32
    %get3A_547 = arith.index_cast %get3A_546 : i32 to index
    %get3A_548 = arith.constant 368 : index
    %get3A_549 = tpu.vector_load %arg4[%get3A_547, %get3A_548] {strides = array<i32>} : memref<2x512xi32, #tpu.memory_space<vmem>>, vector<1x16xi32>,
    %get3A_550 = vector.shape_cast %get3A_549 : vector<1x16xi32> to vector<16xi32>
    %get3A_551 = arith.constant 1 : i32
    %get3A_552 = arith.index_cast %get3A_551 : i32 to index
    %get3A_553 = arith.constant 368 : index
    %get3A_554 = tpu.vector_load %arg4[%get3A_552, %get3A_553] {strides = array<i32>} : memref<2x512xi32, #tpu.memory_space<vmem>>, vector<1x16xi32>,
    %get3A_555 = vector.shape_cast %get3A_554 : vector<1x16xi32> to vector<16xi32>
    %mul3A_556 = arith.constant 1024 : i32
    %mul3A_557 = vector.broadcast %mul3A_556 : i32 to vector<16xi32>
    %mul3A_558 = arith.muli %get3A_555, %mul3A_557 : vector<16xi32>
    %add3A_559 = arith.addi %mul3A_558, %get3A_550 : vector<16xi32>
    %swap3A_560 = arith.constant 2 : i32
    %swap3A_561 = arith.index_cast %swap3A_560 : i32 to index
    %swap3A_562 = arith.constant 112 : index
    %swap3A_563 = tpu.vector_load %arg5[%swap3A_561, %swap3A_562] {strides = array<i32>} : memref<4x128xi32, #tpu.memory_space<vmem>>, vector<1x16xi32>,
    %swap3A_564 = vector.shape_cast %swap3A_563 : vector<1x16xi32> to vector<16xi32>
    %swap3A_565 = vector.shape_cast %add3A_559 : vector<16xi32> to vector<1x16xi32>
    tpu.vector_store %arg5[%swap3A_561, %swap3A_562], %swap3A_565 {strides = array<i32>} : memref<4x128xi32, #tpu.memory_space<vmem>>, vector<1x16xi32>,
    %get3A_566 = arith.constant 0 : i32
    %get3A_567 = arith.index_cast %get3A_566 : i32 to index
    %get3A_568 = arith.constant 384 : index
    %get3A_569 = tpu.vector_load %arg4[%get3A_567, %get3A_568] {strides = array<i32>} : memref<2x512xi32, #tpu.memory_space<vmem>>, vector<1x16xi32>,
    %get3A_570 = vector.shape_cast %get3A_569 : vector<1x16xi32> to vector<16xi32>
    %get3A_571 = arith.constant 1 : i32
    %get3A_572 = arith.index_cast %get3A_571 : i32 to index
    %get3A_573 = arith.constant 384 : index
    %get3A_574 = tpu.vector_load %arg4[%get3A_572, %get3A_573] {strides = array<i32>} : memref<2x512xi32, #tpu.memory_space<vmem>>, vector<1x16xi32>,
    %get3A_575 = vector.shape_cast %get3A_574 : vector<1x16xi32> to vector<16xi32>
    %mul3A_576 = arith.constant 1024 : i32
    %mul3A_577 = vector.broadcast %mul3A_576 : i32 to vector<16xi32>
    %mul3A_578 = arith.muli %get3A_575, %mul3A_577 : vector<16xi32>
    %add3A_579 = arith.addi %mul3A_578, %get3A_570 : vector<16xi32>
    %swap3A_580 = arith.constant 3 : i32
    %swap3A_581 = arith.index_cast %swap3A_580 : i32 to index
    %swap3A_582 = arith.constant 0 : index
    %swap3A_583 = tpu.vector_load %arg5[%swap3A_581, %swap3A_582] {strides = array<i32>} : memref<4x128xi32, #tpu.memory_space<vmem>>, vector<1x16xi32>,
    %swap3A_584 = vector.shape_cast %swap3A_583 : vector<1x16xi32> to vector<16xi32>
    %swap3A_585 = vector.shape_cast %add3A_579 : vector<16xi32> to vector<1x16xi32>
    tpu.vector_store %arg5[%swap3A_581, %swap3A_582], %swap3A_585 {strides = array<i32>} : memref<4x128xi32, #tpu.memory_space<vmem>>, vector<1x16xi32>,
    %get3A_586 = arith.constant 0 : i32
    %get3A_587 = arith.index_cast %get3A_586 : i32 to index
    %get3A_588 = arith.constant 400 : index
    %get3A_589 = tpu.vector_load %arg4[%get3A_587, %get3A_588] {strides = array<i32>} : memref<2x512xi32, #tpu.memory_space<vmem>>, vector<1x16xi32>,
    %get3A_590 = vector.shape_cast %get3A_589 : vector<1x16xi32> to vector<16xi32>
    %get3A_591 = arith.constant 1 : i32
    %get3A_592 = arith.index_cast %get3A_591 : i32 to index
    %get3A_593 = arith.constant 400 : index
    %get3A_594 = tpu.vector_load %arg4[%get3A_592, %get3A_593] {strides = array<i32>} : memref<2x512xi32, #tpu.memory_space<vmem>>, vector<1x16xi32>,
    %get3A_595 = vector.shape_cast %get3A_594 : vector<1x16xi32> to vector<16xi32>
    %mul3A_596 = arith.constant 1024 : i32
    %mul3A_597 = vector.broadcast %mul3A_596 : i32 to vector<16xi32>
    %mul3A_598 = arith.muli %get3A_595, %mul3A_597 : vector<16xi32>
    %add3A_599 = arith.addi %mul3A_598, %get3A_590 : vector<16xi32>
    %swap3A_600 = arith.constant 3 : i32
    %swap3A_601 = arith.index_cast %swap3A_600 : i32 to index
    %swap3A_602 = arith.constant 16 : index
    %swap3A_603 = tpu.vector_load %arg5[%swap3A_601, %swap3A_602] {strides = array<i32>} : memref<4x128xi32, #tpu.memory_space<vmem>>, vector<1x16xi32>,
    %swap3A_604 = vector.shape_cast %swap3A_603 : vector<1x16xi32> to vector<16xi32>
    %swap3A_605 = vector.shape_cast %add3A_599 : vector<16xi32> to vector<1x16xi32>
    tpu.vector_store %arg5[%swap3A_601, %swap3A_602], %swap3A_605 {strides = array<i32>} : memref<4x128xi32, #tpu.memory_space<vmem>>, vector<1x16xi32>,
    %get3A_606 = arith.constant 0 : i32
    %get3A_607 = arith.index_cast %get3A_606 : i32 to index
    %get3A_608 = arith.constant 416 : index
    %get3A_609 = tpu.vector_load %arg4[%get3A_607, %get3A_608] {strides = array<i32>} : memref<2x512xi32, #tpu.memory_space<vmem>>, vector<1x16xi32>,
    %get3A_610 = vector.shape_cast %get3A_609 : vector<1x16xi32> to vector<16xi32>
    %get3A_611 = arith.constant 1 : i32
    %get3A_612 = arith.index_cast %get3A_611 : i32 to index
    %get3A_613 = arith.constant 416 : index
    %get3A_614 = tpu.vector_load %arg4[%get3A_612, %get3A_613] {strides = array<i32>} : memref<2x512xi32, #tpu.memory_space<vmem>>, vector<1x16xi32>,
    %get3A_615 = vector.shape_cast %get3A_614 : vector<1x16xi32> to vector<16xi32>
    %mul3A_616 = arith.constant 1024 : i32
    %mul3A_617 = vector.broadcast %mul3A_616 : i32 to vector<16xi32>
    %mul3A_618 = arith.muli %get3A_615, %mul3A_617 : vector<16xi32>
    %add3A_619 = arith.addi %mul3A_618, %get3A_610 : vector<16xi32>
    %swap3A_620 = arith.constant 3 : i32
    %swap3A_621 = arith.index_cast %swap3A_620 : i32 to index
    %swap3A_622 = arith.constant 32 : index
    %swap3A_623 = tpu.vector_load %arg5[%swap3A_621, %swap3A_622] {strides = array<i32>} : memref<4x128xi32, #tpu.memory_space<vmem>>, vector<1x16xi32>,
    %swap3A_624 = vector.shape_cast %swap3A_623 : vector<1x16xi32> to vector<16xi32>
    %swap3A_625 = vector.shape_cast %add3A_619 : vector<16xi32> to vector<1x16xi32>
    tpu.vector_store %arg5[%swap3A_621, %swap3A_622], %swap3A_625 {strides = array<i32>} : memref<4x128xi32, #tpu.memory_space<vmem>>, vector<1x16xi32>,
    %get3A_626 = arith.constant 0 : i32
    %get3A_627 = arith.index_cast %get3A_626 : i32 to index
    %get3A_628 = arith.constant 432 : index
    %get3A_629 = tpu.vector_load %arg4[%get3A_627, %get3A_628] {strides = array<i32>} : memref<2x512xi32, #tpu.memory_space<vmem>>, vector<1x16xi32>,
    %get3A_630 = vector.shape_cast %get3A_629 : vector<1x16xi32> to vector<16xi32>
    %get3A_631 = arith.constant 1 : i32
    %get3A_632 = arith.index_cast %get3A_631 : i32 to index
    %get3A_633 = arith.constant 432 : index
    %get3A_634 = tpu.vector_load %arg4[%get3A_632, %get3A_633] {strides = array<i32>} : memref<2x512xi32, #tpu.memory_space<vmem>>, vector<1x16xi32>,
    %get3A_635 = vector.shape_cast %get3A_634 : vector<1x16xi32> to vector<16xi32>
    %mul3A_636 = arith.constant 1024 : i32
    %mul3A_637 = vector.broadcast %mul3A_636 : i32 to vector<16xi32>
    %mul3A_638 = arith.muli %get3A_635, %mul3A_637 : vector<16xi32>
    %add3A_639 = arith.addi %mul3A_638, %get3A_630 : vector<16xi32>
    %swap3A_640 = arith.constant 3 : i32
    %swap3A_641 = arith.index_cast %swap3A_640 : i32 to index
    %swap3A_642 = arith.constant 48 : index
    %swap3A_643 = tpu.vector_load %arg5[%swap3A_641, %swap3A_642] {strides = array<i32>} : memref<4x128xi32, #tpu.memory_space<vmem>>, vector<1x16xi32>,
    %swap3A_644 = vector.shape_cast %swap3A_643 : vector<1x16xi32> to vector<16xi32>
    %swap3A_645 = vector.shape_cast %add3A_639 : vector<16xi32> to vector<1x16xi32>
    tpu.vector_store %arg5[%swap3A_641, %swap3A_642], %swap3A_645 {strides = array<i32>} : memref<4x128xi32, #tpu.memory_space<vmem>>, vector<1x16xi32>,
    %get3A_646 = arith.constant 0 : i32
    %get3A_647 = arith.index_cast %get3A_646 : i32 to index
    %get3A_648 = arith.constant 448 : index
    %get3A_649 = tpu.vector_load %arg4[%get3A_647, %get3A_648] {strides = array<i32>} : memref<2x512xi32, #tpu.memory_space<vmem>>, vector<1x16xi32>,
    %get3A_650 = vector.shape_cast %get3A_649 : vector<1x16xi32> to vector<16xi32>
    %get3A_651 = arith.constant 1 : i32
    %get3A_652 = arith.index_cast %get3A_651 : i32 to index
    %get3A_653 = arith.constant 448 : index
    %get3A_654 = tpu.vector_load %arg4[%get3A_652, %get3A_653] {strides = array<i32>} : memref<2x512xi32, #tpu.memory_space<vmem>>, vector<1x16xi32>,
    %get3A_655 = vector.shape_cast %get3A_654 : vector<1x16xi32> to vector<16xi32>
    %mul3A_656 = arith.constant 1024 : i32
    %mul3A_657 = vector.broadcast %mul3A_656 : i32 to vector<16xi32>
    %mul3A_658 = arith.muli %get3A_655, %mul3A_657 : vector<16xi32>
    %add3A_659 = arith.addi %mul3A_658, %get3A_650 : vector<16xi32>
    %swap3A_660 = arith.constant 3 : i32
    %swap3A_661 = arith.index_cast %swap3A_660 : i32 to index
    %swap3A_662 = arith.constant 64 : index
    %swap3A_663 = tpu.vector_load %arg5[%swap3A_661, %swap3A_662] {strides = array<i32>} : memref<4x128xi32, #tpu.memory_space<vmem>>, vector<1x16xi32>,
    %swap3A_664 = vector.shape_cast %swap3A_663 : vector<1x16xi32> to vector<16xi32>
    %swap3A_665 = vector.shape_cast %add3A_659 : vector<16xi32> to vector<1x16xi32>
    tpu.vector_store %arg5[%swap3A_661, %swap3A_662], %swap3A_665 {strides = array<i32>} : memref<4x128xi32, #tpu.memory_space<vmem>>, vector<1x16xi32>,
    %get3A_666 = arith.constant 0 : i32
    %get3A_667 = arith.index_cast %get3A_666 : i32 to index
    %get3A_668 = arith.constant 464 : index
    %get3A_669 = tpu.vector_load %arg4[%get3A_667, %get3A_668] {strides = array<i32>} : memref<2x512xi32, #tpu.memory_space<vmem>>, vector<1x16xi32>,
    %get3A_670 = vector.shape_cast %get3A_669 : vector<1x16xi32> to vector<16xi32>
    %get3A_671 = arith.constant 1 : i32
    %get3A_672 = arith.index_cast %get3A_671 : i32 to index
    %get3A_673 = arith.constant 464 : index
    %get3A_674 = tpu.vector_load %arg4[%get3A_672, %get3A_673] {strides = array<i32>} : memref<2x512xi32, #tpu.memory_space<vmem>>, vector<1x16xi32>,
    %get3A_675 = vector.shape_cast %get3A_674 : vector<1x16xi32> to vector<16xi32>
    %mul3A_676 = arith.constant 1024 : i32
    %mul3A_677 = vector.broadcast %mul3A_676 : i32 to vector<16xi32>
    %mul3A_678 = arith.muli %get3A_675, %mul3A_677 : vector<16xi32>
    %add3A_679 = arith.addi %mul3A_678, %get3A_670 : vector<16xi32>
    %swap3A_680 = arith.constant 3 : i32
    %swap3A_681 = arith.index_cast %swap3A_680 : i32 to index
    %swap3A_682 = arith.constant 80 : index
    %swap3A_683 = tpu.vector_load %arg5[%swap3A_681, %swap3A_682] {strides = array<i32>} : memref<4x128xi32, #tpu.memory_space<vmem>>, vector<1x16xi32>,
    %swap3A_684 = vector.shape_cast %swap3A_683 : vector<1x16xi32> to vector<16xi32>
    %swap3A_685 = vector.shape_cast %add3A_679 : vector<16xi32> to vector<1x16xi32>
    tpu.vector_store %arg5[%swap3A_681, %swap3A_682], %swap3A_685 {strides = array<i32>} : memref<4x128xi32, #tpu.memory_space<vmem>>, vector<1x16xi32>,
    %get3A_686 = arith.constant 0 : i32
    %get3A_687 = arith.index_cast %get3A_686 : i32 to index
    %get3A_688 = arith.constant 480 : index
    %get3A_689 = tpu.vector_load %arg4[%get3A_687, %get3A_688] {strides = array<i32>} : memref<2x512xi32, #tpu.memory_space<vmem>>, vector<1x16xi32>,
    %get3A_690 = vector.shape_cast %get3A_689 : vector<1x16xi32> to vector<16xi32>
    %get3A_691 = arith.constant 1 : i32
    %get3A_692 = arith.index_cast %get3A_691 : i32 to index
    %get3A_693 = arith.constant 480 : index
    %get3A_694 = tpu.vector_load %arg4[%get3A_692, %get3A_693] {strides = array<i32>} : memref<2x512xi32, #tpu.memory_space<vmem>>, vector<1x16xi32>,
    %get3A_695 = vector.shape_cast %get3A_694 : vector<1x16xi32> to vector<16xi32>
    %mul3A_696 = arith.constant 1024 : i32
    %mul3A_697 = vector.broadcast %mul3A_696 : i32 to vector<16xi32>
    %mul3A_698 = arith.muli %get3A_695, %mul3A_697 : vector<16xi32>
    %add3A_699 = arith.addi %mul3A_698, %get3A_690 : vector<16xi32>
    %swap3A_700 = arith.constant 3 : i32
    %swap3A_701 = arith.index_cast %swap3A_700 : i32 to index
    %swap3A_702 = arith.constant 96 : index
    %swap3A_703 = tpu.vector_load %arg5[%swap3A_701, %swap3A_702] {strides = array<i32>} : memref<4x128xi32, #tpu.memory_space<vmem>>, vector<1x16xi32>,
    %swap3A_704 = vector.shape_cast %swap3A_703 : vector<1x16xi32> to vector<16xi32>
    %swap3A_705 = vector.shape_cast %add3A_699 : vector<16xi32> to vector<1x16xi32>
    tpu.vector_store %arg5[%swap3A_701, %swap3A_702], %swap3A_705 {strides = array<i32>} : memref<4x128xi32, #tpu.memory_space<vmem>>, vector<1x16xi32>,
    %get3A_706 = arith.constant 0 : i32
    %get3A_707 = arith.index_cast %get3A_706 : i32 to index
    %get3A_708 = arith.constant 496 : index
    %get3A_709 = tpu.vector_load %arg4[%get3A_707, %get3A_708] {strides = array<i32>} : memref<2x512xi32, #tpu.memory_space<vmem>>, vector<1x16xi32>,
    %get3A_710 = vector.shape_cast %get3A_709 : vector<1x16xi32> to vector<16xi32>
    %get3A_711 = arith.constant 1 : i32
    %get3A_712 = arith.index_cast %get3A_711 : i32 to index
    %get3A_713 = arith.constant 496 : index
    %get3A_714 = tpu.vector_load %arg4[%get3A_712, %get3A_713] {strides = array<i32>} : memref<2x512xi32, #tpu.memory_space<vmem>>, vector<1x16xi32>,
    %get3A_715 = vector.shape_cast %get3A_714 : vector<1x16xi32> to vector<16xi32>
    %mul3A_716 = arith.constant 1024 : i32
    %mul3A_717 = vector.broadcast %mul3A_716 : i32 to vector<16xi32>
    %mul3A_718 = arith.muli %get3A_715, %mul3A_717 : vector<16xi32>
    %add3A_719 = arith.addi %mul3A_718, %get3A_710 : vector<16xi32>
    %swap3A_720 = arith.constant 3 : i32
    %swap3A_721 = arith.index_cast %swap3A_720 : i32 to index
    %swap3A_722 = arith.constant 112 : index
    %swap3A_723 = tpu.vector_load %arg5[%swap3A_721, %swap3A_722] {strides = array<i32>} : memref<4x128xi32, #tpu.memory_space<vmem>>, vector<1x16xi32>,
    %swap3A_724 = vector.shape_cast %swap3A_723 : vector<1x16xi32> to vector<16xi32>
    %swap3A_725 = vector.shape_cast %add3A_719 : vector<16xi32> to vector<1x16xi32>
    tpu.vector_store %arg5[%swap3A_721, %swap3A_722], %swap3A_725 {strides = array<i32>} : memref<4x128xi32, #tpu.memory_space<vmem>>, vector<1x16xi32>,
    %run_scoped3A = arith.constant 0 : i32
    "tpu.region"() ({
      %run_scoped3A_734 = tpu.sem_alloc : memref<!tpu.dma_semaphore, #tpu.memory_space<semaphore_mem>>
      %dma_start3A = arith.constant 0 : i32
      %dma_start3A_735 = tpu.memref_slice %arg5[%run_scoped3A, %dma_start3A] : memref<4x128xi32, #tpu.memory_space<vmem>> -> memref<1x128xi32, #tpu.memory_space<vmem>>
      %dma_start3A_736 = tpu.memref_squeeze %dma_start3A_735 : memref<1x128xi32, #tpu.memory_space<vmem>> -> memref<128xi32, #tpu.memory_space<vmem>>
      %dma_start3A_737 = arith.constant 0 : i32
      %dma_start3A_738 = tpu.memref_slice %arg8[%dma_start3A_737] : memref<1048576xf32, #tpu.memory_space<vmem_shared>> -> memref<1048576xf32, #tpu.memory_space<vmem_shared>>
      tpu.enqueue_indirect_dma source(%arg6 : memref<128xf32, #tpu.memory_space<vmem>>) target(%dma_start3A_738 : memref<1048576xf32, #tpu.memory_space<vmem_shared>>) offsets(%dma_start3A_736 : memref<128xi32, #tpu.memory_space<vmem>>) semaphore(%run_scoped3A_734 : memref<!tpu.dma_semaphore, #tpu.memory_space<semaphore_mem>>) {add = true}
      %dma_wait3A = arith.constant 0 : i32
      %dma_wait3A_739 = tpu.memref_slice %arg5[%run_scoped3A, %dma_wait3A] : memref<4x128xi32, #tpu.memory_space<vmem>> -> memref<1x128xi32, #tpu.memory_space<vmem>>
      %dma_wait3A_740 = tpu.memref_squeeze %dma_wait3A_739 : memref<1x128xi32, #tpu.memory_space<vmem>> -> memref<128xi32, #tpu.memory_space<vmem>>
      %dma_wait3A_741 = arith.constant 0 : i32
      %dma_wait3A_742 = tpu.memref_slice %arg8[%dma_wait3A_741] : memref<1048576xf32, #tpu.memory_space<vmem_shared>> -> memref<1048576xf32, #tpu.memory_space<vmem_shared>>
      tpu.wait_indirect_dma semaphore(%run_scoped3A_734 : memref<!tpu.dma_semaphore, #tpu.memory_space<semaphore_mem>>) src(%arg6 : memref<128xf32, #tpu.memory_space<vmem>>) dst(%dma_wait3A_742 : memref<1048576xf32, #tpu.memory_space<vmem_shared>>)
      tpu.yield
    }) : () -> ()
    %run_scoped3A_726 = arith.constant 1 : i32
    "tpu.region"() ({
      %run_scoped3A_734 = tpu.sem_alloc : memref<!tpu.dma_semaphore, #tpu.memory_space<semaphore_mem>>
      %dma_start3A = arith.constant 0 : i32
      %dma_start3A_735 = tpu.memref_slice %arg5[%run_scoped3A_726, %dma_start3A] : memref<4x128xi32, #tpu.memory_space<vmem>> -> memref<1x128xi32, #tpu.memory_space<vmem>>
      %dma_start3A_736 = tpu.memref_squeeze %dma_start3A_735 : memref<1x128xi32, #tpu.memory_space<vmem>> -> memref<128xi32, #tpu.memory_space<vmem>>
      %dma_start3A_737 = arith.constant 0 : i32
      %dma_start3A_738 = tpu.memref_slice %arg8[%dma_start3A_737] : memref<1048576xf32, #tpu.memory_space<vmem_shared>> -> memref<1048576xf32, #tpu.memory_space<vmem_shared>>
      tpu.enqueue_indirect_dma source(%arg6 : memref<128xf32, #tpu.memory_space<vmem>>) target(%dma_start3A_738 : memref<1048576xf32, #tpu.memory_space<vmem_shared>>) offsets(%dma_start3A_736 : memref<128xi32, #tpu.memory_space<vmem>>) semaphore(%run_scoped3A_734 : memref<!tpu.dma_semaphore, #tpu.memory_space<semaphore_mem>>) {add = true}
      %dma_wait3A = arith.constant 0 : i32
      %dma_wait3A_739 = tpu.memref_slice %arg5[%run_scoped3A_726, %dma_wait3A] : memref<4x128xi32, #tpu.memory_space<vmem>> -> memref<1x128xi32, #tpu.memory_space<vmem>>
      %dma_wait3A_740 = tpu.memref_squeeze %dma_wait3A_739 : memref<1x128xi32, #tpu.memory_space<vmem>> -> memref<128xi32, #tpu.memory_space<vmem>>
      %dma_wait3A_741 = arith.constant 0 : i32
      %dma_wait3A_742 = tpu.memref_slice %arg8[%dma_wait3A_741] : memref<1048576xf32, #tpu.memory_space<vmem_shared>> -> memref<1048576xf32, #tpu.memory_space<vmem_shared>>
      tpu.wait_indirect_dma semaphore(%run_scoped3A_734 : memref<!tpu.dma_semaphore, #tpu.memory_space<semaphore_mem>>) src(%arg6 : memref<128xf32, #tpu.memory_space<vmem>>) dst(%dma_wait3A_742 : memref<1048576xf32, #tpu.memory_space<vmem_shared>>)
      tpu.yield
    }) : () -> ()
    %run_scoped3A_727 = arith.constant 2 : i32
    "tpu.region"() ({
      %run_scoped3A_734 = tpu.sem_alloc : memref<!tpu.dma_semaphore, #tpu.memory_space<semaphore_mem>>
      %dma_start3A = arith.constant 0 : i32
      %dma_start3A_735 = tpu.memref_slice %arg5[%run_scoped3A_727, %dma_start3A] : memref<4x128xi32, #tpu.memory_space<vmem>> -> memref<1x128xi32, #tpu.memory_space<vmem>>
      %dma_start3A_736 = tpu.memref_squeeze %dma_start3A_735 : memref<1x128xi32, #tpu.memory_space<vmem>> -> memref<128xi32, #tpu.memory_space<vmem>>
      %dma_start3A_737 = arith.constant 0 : i32
      %dma_start3A_738 = tpu.memref_slice %arg8[%dma_start3A_737] : memref<1048576xf32, #tpu.memory_space<vmem_shared>> -> memref<1048576xf32, #tpu.memory_space<vmem_shared>>
      tpu.enqueue_indirect_dma source(%arg6 : memref<128xf32, #tpu.memory_space<vmem>>) target(%dma_start3A_738 : memref<1048576xf32, #tpu.memory_space<vmem_shared>>) offsets(%dma_start3A_736 : memref<128xi32, #tpu.memory_space<vmem>>) semaphore(%run_scoped3A_734 : memref<!tpu.dma_semaphore, #tpu.memory_space<semaphore_mem>>) {add = true}
      %dma_wait3A = arith.constant 0 : i32
      %dma_wait3A_739 = tpu.memref_slice %arg5[%run_scoped3A_727, %dma_wait3A] : memref<4x128xi32, #tpu.memory_space<vmem>> -> memref<1x128xi32, #tpu.memory_space<vmem>>
      %dma_wait3A_740 = tpu.memref_squeeze %dma_wait3A_739 : memref<1x128xi32, #tpu.memory_space<vmem>> -> memref<128xi32, #tpu.memory_space<vmem>>
      %dma_wait3A_741 = arith.constant 0 : i32
      %dma_wait3A_742 = tpu.memref_slice %arg8[%dma_wait3A_741] : memref<1048576xf32, #tpu.memory_space<vmem_shared>> -> memref<1048576xf32, #tpu.memory_space<vmem_shared>>
      tpu.wait_indirect_dma semaphore(%run_scoped3A_734 : memref<!tpu.dma_semaphore, #tpu.memory_space<semaphore_mem>>) src(%arg6 : memref<128xf32, #tpu.memory_space<vmem>>) dst(%dma_wait3A_742 : memref<1048576xf32, #tpu.memory_space<vmem_shared>>)
      tpu.yield
    }) : () -> ()
    %run_scoped3A_728 = arith.constant 3 : i32
    "tpu.region"() ({
      %run_scoped3A_734 = tpu.sem_alloc : memref<!tpu.dma_semaphore, #tpu.memory_space<semaphore_mem>>
      %dma_start3A = arith.constant 0 : i32
      %dma_start3A_735 = tpu.memref_slice %arg5[%run_scoped3A_728, %dma_start3A] : memref<4x128xi32, #tpu.memory_space<vmem>> -> memref<1x128xi32, #tpu.memory_space<vmem>>
      %dma_start3A_736 = tpu.memref_squeeze %dma_start3A_735 : memref<1x128xi32, #tpu.memory_space<vmem>> -> memref<128xi32, #tpu.memory_space<vmem>>
      %dma_start3A_737 = arith.constant 0 : i32
      %dma_start3A_738 = tpu.memref_slice %arg8[%dma_start3A_737] : memref<1048576xf32, #tpu.memory_space<vmem_shared>> -> memref<1048576xf32, #tpu.memory_space<vmem_shared>>
      tpu.enqueue_indirect_dma source(%arg6 : memref<128xf32, #tpu.memory_space<vmem>>) target(%dma_start3A_738 : memref<1048576xf32, #tpu.memory_space<vmem_shared>>) offsets(%dma_start3A_736 : memref<128xi32, #tpu.memory_space<vmem>>) semaphore(%run_scoped3A_734 : memref<!tpu.dma_semaphore, #tpu.memory_space<semaphore_mem>>) {add = true}
      %dma_wait3A = arith.constant 0 : i32
      %dma_wait3A_739 = tpu.memref_slice %arg5[%run_scoped3A_728, %dma_wait3A] : memref<4x128xi32, #tpu.memory_space<vmem>> -> memref<1x128xi32, #tpu.memory_space<vmem>>
      %dma_wait3A_740 = tpu.memref_squeeze %dma_wait3A_739 : memref<1x128xi32, #tpu.memory_space<vmem>> -> memref<128xi32, #tpu.memory_space<vmem>>
      %dma_wait3A_741 = arith.constant 0 : i32
      %dma_wait3A_742 = tpu.memref_slice %arg8[%dma_wait3A_741] : memref<1048576xf32, #tpu.memory_space<vmem_shared>> -> memref<1048576xf32, #tpu.memory_space<vmem_shared>>
      tpu.wait_indirect_dma semaphore(%run_scoped3A_734 : memref<!tpu.dma_semaphore, #tpu.memory_space<semaphore_mem>>) src(%arg6 : memref<128xf32, #tpu.memory_space<vmem>>) dst(%dma_wait3A_742 : memref<1048576xf32, #tpu.memory_space<vmem_shared>>)
      tpu.yield
    }) : () -> ()
    %barrier3A_729 = arith.constant 0 : index
    tpu.barrier barrier_id(%barrier3A_729)
    %mul3A_730 = arith.constant 65536 : i32
    %mul3A_731 = arith.muli %arg1, %mul3A_730 : i32
    %mul3A_732 = arith.constant 65536 : i32
    %mul3A_733 = arith.muli %arg1, %mul3A_732 : i32
    "tpu.region"() ({
      %run_scoped3A_734 = tpu.sem_alloc : memref<!tpu.dma_semaphore, #tpu.memory_space<semaphore_mem>>
      %dma_start3A = tpu.memref_slice %arg3[%arg0, %mul3A_733] : memref<2x1048576xf32, #tpu.memory_space<hbm>> -> memref<1x65536xf32, #tpu.memory_space<hbm>>
      %dma_start3A_735 = tpu.memref_squeeze %dma_start3A : memref<1x65536xf32, #tpu.memory_space<hbm>> -> memref<65536xf32, #tpu.memory_space<hbm>>
      %dma_start3A_736 = tpu.memref_slice %arg8[%mul3A_731] : memref<1048576xf32, #tpu.memory_space<vmem_shared>> -> memref<65536xf32, #tpu.memory_space<vmem_shared>>
      tpu.enqueue_dma source(%dma_start3A_736 : memref<65536xf32, #tpu.memory_space<vmem_shared>>) target(%dma_start3A_735 : memref<65536xf32, #tpu.memory_space<hbm>>) target_semaphore(%run_scoped3A_734 : memref<!tpu.dma_semaphore, #tpu.memory_space<semaphore_mem>>)
      %dma_wait3A = tpu.memref_slice %arg3[%arg0, %mul3A_733] : memref<2x1048576xf32, #tpu.memory_space<hbm>> -> memref<1x65536xf32, #tpu.memory_space<hbm>>
      %dma_wait3A_737 = tpu.memref_squeeze %dma_wait3A : memref<1x65536xf32, #tpu.memory_space<hbm>> -> memref<65536xf32, #tpu.memory_space<hbm>>
      %dma_wait3A_738 = tpu.memref_slice %arg8[%mul3A_731] : memref<1048576xf32, #tpu.memory_space<vmem_shared>> -> memref<65536xf32, #tpu.memory_space<vmem_shared>>
      tpu.wait_dma2 semaphore(%run_scoped3A_734 : memref<!tpu.dma_semaphore, #tpu.memory_space<semaphore_mem>>) src(%dma_wait3A_738 : memref<65536xf32, #tpu.memory_space<vmem_shared>>) dst(%dma_wait3A_737 : memref<65536xf32, #tpu.memory_space<hbm>>)
      tpu.yield
    }) : () -> ()
    return
  }
}

module attributes {stable_mosaic.version = 14 : i64} {
  func.func @_epi_body(%arg0: memref<2x1024x1024xf32, #tpu.memory_space<vmem>>, %arg1: memref<1024x1024xf32, #tpu.memory_space<vmem>>, %arg2: memref<1x1024xf32, #tpu.memory_space<vmem>>, %arg3: memref<1024x256xf32, #tpu.memory_space<vmem>>, %arg4: memref<1x256xf32, #tpu.memory_space<vmem>>, %arg5: memref<256x2xf32, #tpu.memory_space<vmem>>, %arg6: memref<1x2xf32, #tpu.memory_space<vmem>>, %arg7: memref<1x2xf32, #tpu.memory_space<vmem>>) attributes {dimension_semantics = [], scalar_prefetch = 0 : i64, scratch_operands = 0 : i64, tpu.core_type = #tpu.core_type<tc>} {
    %get3A = arith.constant 0 : index
    %get3A_0 = arith.constant 0 : index
    %get3A_1 = arith.constant 0 : index
    %get3A_2 = vector.load %arg0[%get3A, %get3A_0, %get3A_1] : memref<2x1024x1024xf32, #tpu.memory_space<vmem>>, vector<1x1024x1024xf32>
    %get3A_3 = vector.shape_cast %get3A_2 : vector<1x1024x1024xf32> to vector<1024x1024xf32>
    %get3A_4 = arith.constant 1 : index
    %get3A_5 = arith.constant 0 : index
    %get3A_6 = arith.constant 0 : index
    %get3A_7 = vector.load %arg0[%get3A_4, %get3A_5, %get3A_6] : memref<2x1024x1024xf32, #tpu.memory_space<vmem>>, vector<1x1024x1024xf32>
    %get3A_8 = vector.shape_cast %get3A_7 : vector<1x1024x1024xf32> to vector<1024x1024xf32>
    %add3A = arith.addf %get3A_3, %get3A_8 : vector<1024x1024xf32>
    %iota3A = tpu.iota {dimensions = array<i32: 0>} : vector<1024x1024xi32>
    %iota3A_9 = tpu.iota {dimensions = array<i32: 1>} : vector<1024x1024xi32>
    %eq3A = arith.cmpi eq, %iota3A, %iota3A_9 : vector<1024x1024xi32>
    %jit3A = arith.constant 1.000000e+00 : f32
    %jit3A_10 = arith.constant 0.000000e+00 : f32
    %broadcast_in_dim3A = vector.broadcast %jit3A : f32 to vector<1024x1024xf32>
    %broadcast_in_dim3A_11 = vector.broadcast %jit3A_10 : f32 to vector<1024x1024xf32>
    %select_n3A = arith.select %eq3A, %broadcast_in_dim3A, %broadcast_in_dim3A_11 : vector<1024x1024xi1>, vector<1024x1024xf32>
    %add3A_12 = arith.addf %add3A, %select_n3A : vector<1024x1024xf32>
    %reduce_sum3A = arith.constant dense<0.000000e+00> : vector<1024xf32>
    %reduce_sum3A_13 = vector.multi_reduction <add>, %add3A_12, %reduce_sum3A [1] : vector<1024x1024xf32> to vector<1024xf32>
    %broadcast_in_dim3A_14 = vector.shape_cast %reduce_sum3A_13 : vector<1024xf32> to vector<1024x1xf32>
    %max3A = arith.constant 1.000000e+00 : f32
    %max3A_15 = vector.broadcast %max3A : f32 to vector<1024x1xf32>
    %max3A_16 = arith.maximumf %broadcast_in_dim3A_14, %max3A_15 : vector<1024x1xf32>
    %rsqrt3A = math.rsqrt %max3A_16 : vector<1024x1xf32>
    %get3A_17 = arith.constant 0 : index
    %get3A_18 = arith.constant 0 : index
    %get3A_19 = vector.load %arg1[%get3A_17, %get3A_18] : memref<1024x1024xf32, #tpu.memory_space<vmem>>, vector<1024x1024xf32>
    %mul3A = vector.broadcast %rsqrt3A : vector<1024x1xf32> to vector<1024x1024xf32>
    %mul3A_20 = arith.mulf %mul3A, %get3A_19 : vector<1024x1024xf32>
    %dot_general3A = arith.constant dense<0.000000e+00> : vector<1024x1024xf32>
    %dot_general3A_21 = tpu.matmul %add3A_12, %mul3A_20, %dot_general3A {dimension_numbers = #tpu.dot_dimension_numbers<[1], [0], [0], [1], [0, 0, 1, 1], [], []>, transpose_lhs_hint = false} : vector<1024x1024xf32>, vector<1024x1024xf32>, vector<1024x1024xf32> -> vector<1024x1024xf32>
    %mul3A_22 = vector.broadcast %rsqrt3A : vector<1024x1xf32> to vector<1024x1024xf32>
    %mul3A_23 = arith.mulf %mul3A_22, %dot_general3A_21 : vector<1024x1024xf32>
    %get3A_24 = arith.constant 0 : index
    %get3A_25 = arith.constant 0 : index
    %get3A_26 = vector.load %arg2[%get3A_24, %get3A_25] : memref<1x1024xf32, #tpu.memory_space<vmem>>, vector<1x1024xf32>
    %add3A_27 = vector.broadcast %get3A_26 : vector<1x1024xf32> to vector<1024x1024xf32>
    %add3A_28 = arith.addf %mul3A_23, %add3A_27 : vector<1024x1024xf32>
    %max3A_29 = arith.constant 0.000000e+00 : f32
    %max3A_30 = vector.broadcast %max3A_29 : f32 to vector<1024x1024xf32>
    %max3A_31 = arith.maximumf %add3A_28, %max3A_30 : vector<1024x1024xf32>
    %get3A_32 = arith.constant 0 : index
    %get3A_33 = arith.constant 0 : index
    %get3A_34 = vector.load %arg3[%get3A_32, %get3A_33] : memref<1024x256xf32, #tpu.memory_space<vmem>>, vector<1024x256xf32>
    %dot_general3A_35 = arith.constant dense<0.000000e+00> : vector<1024x256xf32>
    %dot_general3A_36 = tpu.matmul %max3A_31, %get3A_34, %dot_general3A_35 {dimension_numbers = #tpu.dot_dimension_numbers<[1], [0], [0], [1], [0, 0, 1, 1], [], []>, transpose_lhs_hint = false} : vector<1024x1024xf32>, vector<1024x256xf32>, vector<1024x256xf32> -> vector<1024x256xf32>
    %mul3A_37 = vector.broadcast %rsqrt3A : vector<1024x1xf32> to vector<1024x256xf32>
    %mul3A_38 = arith.mulf %mul3A_37, %dot_general3A_36 : vector<1024x256xf32>
    %dot_general3A_39 = arith.constant dense<0.000000e+00> : vector<1024x256xf32>
    %dot_general3A_40 = tpu.matmul %add3A_12, %mul3A_38, %dot_general3A_39 {dimension_numbers = #tpu.dot_dimension_numbers<[1], [0], [0], [1], [0, 0, 1, 1], [], []>, transpose_lhs_hint = false} : vector<1024x1024xf32>, vector<1024x256xf32>, vector<1024x256xf32> -> vector<1024x256xf32>
    %mul3A_41 = vector.broadcast %rsqrt3A : vector<1024x1xf32> to vector<1024x256xf32>
    %mul3A_42 = arith.mulf %mul3A_41, %dot_general3A_40 : vector<1024x256xf32>
    %get3A_43 = arith.constant 0 : index
    %get3A_44 = arith.constant 0 : index
    %get3A_45 = vector.load %arg4[%get3A_43, %get3A_44] : memref<1x256xf32, #tpu.memory_space<vmem>>, vector<1x256xf32>
    %add3A_46 = vector.broadcast %get3A_45 : vector<1x256xf32> to vector<1024x256xf32>
    %add3A_47 = arith.addf %mul3A_42, %add3A_46 : vector<1024x256xf32>
    %max3A_48 = arith.constant 0.000000e+00 : f32
    %max3A_49 = vector.broadcast %max3A_48 : f32 to vector<1024x256xf32>
    %max3A_50 = arith.maximumf %add3A_47, %max3A_49 : vector<1024x256xf32>
    %reduce_sum3A_51 = arith.constant dense<0.000000e+00> : vector<256xf32>
    %reduce_sum3A_52 = vector.multi_reduction <add>, %max3A_50, %reduce_sum3A_51 [0] : vector<1024x256xf32> to vector<256xf32>
    %broadcast_in_dim3A_53 = vector.shape_cast %reduce_sum3A_52 : vector<256xf32> to vector<1x256xf32>
    %div3A = arith.constant 1.024000e+03 : f32
    %div3A_54 = vector.broadcast %div3A : f32 to vector<1x256xf32>
    %div3A_55 = arith.divf %broadcast_in_dim3A_53, %div3A_54 : vector<1x256xf32>
    %get3A_56 = arith.constant 0 : index
    %get3A_57 = arith.constant 0 : index
    %get3A_58 = vector.load %arg5[%get3A_56, %get3A_57] : memref<256x2xf32, #tpu.memory_space<vmem>>, vector<256x2xf32>
    %dot_general3A_59 = arith.constant dense<0.000000e+00> : vector<1x2xf32>
    %dot_general3A_60 = tpu.matmul %div3A_55, %get3A_58, %dot_general3A_59 {dimension_numbers = #tpu.dot_dimension_numbers<[1], [0], [0], [1], [0, 0, 1, 1], [], []>, transpose_lhs_hint = false} : vector<1x256xf32>, vector<256x2xf32>, vector<1x2xf32> -> vector<1x2xf32>
    %get3A_61 = arith.constant 0 : index
    %get3A_62 = arith.constant 0 : index
    %get3A_63 = vector.load %arg6[%get3A_61, %get3A_62] : memref<1x2xf32, #tpu.memory_space<vmem>>, vector<1x2xf32>
    %add3A_64 = arith.addf %dot_general3A_60, %get3A_63 : vector<1x2xf32>
    %reduce_max3A = arith.constant dense<0xFF800000> : vector<1xf32>
    %reduce_max3A_65 = vector.multi_reduction <maximumf>, %add3A_64, %reduce_max3A [1] : vector<1x2xf32> to vector<1xf32>
    %broadcast_in_dim3A_66 = vector.shape_cast %reduce_max3A_65 : vector<1xf32> to vector<1x1xf32>
    %sub3A = vector.broadcast %broadcast_in_dim3A_66 : vector<1x1xf32> to vector<1x2xf32>
    %sub3A_67 = arith.subf %add3A_64, %sub3A : vector<1x2xf32>
    %exp3A = math.exp %sub3A_67 : vector<1x2xf32>
    %sub3A_68 = vector.broadcast %broadcast_in_dim3A_66 : vector<1x1xf32> to vector<1x2xf32>
    %sub3A_69 = arith.subf %add3A_64, %sub3A_68 : vector<1x2xf32>
    %reduce_sum3A_70 = arith.constant dense<0.000000e+00> : vector<1xf32>
    %reduce_sum3A_71 = vector.multi_reduction <add>, %exp3A, %reduce_sum3A_70 [1] : vector<1x2xf32> to vector<1xf32>
    %broadcast_in_dim3A_72 = vector.shape_cast %reduce_sum3A_71 : vector<1xf32> to vector<1x1xf32>
    %log3A = math.log %broadcast_in_dim3A_72 : vector<1x1xf32>
    %sub3A_73 = vector.broadcast %log3A : vector<1x1xf32> to vector<1x2xf32>
    %sub3A_74 = arith.subf %sub3A_69, %sub3A_73 : vector<1x2xf32>
    %swap3A = arith.constant 0 : index
    %swap3A_75 = arith.constant 0 : index
    %swap3A_76 = vector.load %arg7[%swap3A, %swap3A_75] : memref<1x2xf32, #tpu.memory_space<vmem>>, vector<1x2xf32>
    tpu.vector_store %arg7[%swap3A, %swap3A_75], %sub3A_74 {strides = array<i32>} : memref<1x2xf32, #tpu.memory_space<vmem>>, vector<1x2xf32>,
    return
  }
}

module attributes {stable_mosaic.version = 14 : i64} {
  func.func @_mm_body(%arg0: i32, %arg1: memref<1024x512xf32, #tpu.memory_space<vmem>>, %arg2: memref<512x1024xf32, #tpu.memory_space<vmem>>, %arg3: memref<1024x1024xf32, #tpu.memory_space<vmem>>, %arg4: memref<1024x1024xf32, #tpu.memory_space<vmem>>) attributes {dimension_semantics = [#tpu.dimension_semantics<arbitrary>], iteration_bounds = array<i64: 98>, scalar_prefetch = 0 : i64, scratch_operands = 1 : i64, tpu.core_type = #tpu.core_type<tc>, window_params = [{transform_indices = @transform_0, window_bounds = array<i64: 1024, 512>}, {transform_indices = @transform_1, window_bounds = array<i64: 512, 1024>}, {pipeline_mode = #tpu.pipeline_mode<synchronous>, transform_indices = @transform_2, window_bounds = array<i64: 1024, 1024>}]} {
    %eq3A = arith.constant 0 : i32
    %eq3A_0 = arith.cmpi eq, %arg0, %eq3A : i32
    %convert_element_type3A = arith.extui %eq3A_0 : i1 to i32
    %cond3A = arith.constant 0 : i32
    %cond3A_1 = arith.cmpi ne, %convert_element_type3A, %cond3A : i32
    scf.if %cond3A_1 {
      %broadcast_in_dim3A = arith.constant 0.000000e+00 : f32
      %broadcast_in_dim3A_18 = vector.broadcast %broadcast_in_dim3A : f32 to vector<1024x1024xf32>
      %swap3A_19 = arith.constant 0 : index
      %swap3A_20 = arith.constant 0 : index
      %swap3A_21 = vector.load %arg4[%swap3A_19, %swap3A_20] : memref<1024x1024xf32, #tpu.memory_space<vmem>>, vector<1024x1024xf32>
      tpu.vector_store %arg4[%swap3A_19, %swap3A_20], %broadcast_in_dim3A_18 {strides = array<i32>} : memref<1024x1024xf32, #tpu.memory_space<vmem>>, vector<1024x1024xf32>,
    } else {
    }
    %get3A = arith.constant 0 : index
    %get3A_2 = arith.constant 0 : index
    %get3A_3 = vector.load %arg4[%get3A, %get3A_2] : memref<1024x1024xf32, #tpu.memory_space<vmem>>, vector<1024x1024xf32>
    %get3A_4 = arith.constant 0 : index
    %get3A_5 = arith.constant 0 : index
    %get3A_6 = vector.load %arg1[%get3A_4, %get3A_5] : memref<1024x512xf32, #tpu.memory_space<vmem>>, vector<1024x512xf32>
    %get3A_7 = arith.constant 0 : index
    %get3A_8 = arith.constant 0 : index
    %get3A_9 = vector.load %arg2[%get3A_7, %get3A_8] : memref<512x1024xf32, #tpu.memory_space<vmem>>, vector<512x1024xf32>
    %dot_general3A = arith.constant dense<0.000000e+00> : vector<1024x1024xf32>
    %dot_general3A_10 = tpu.matmul %get3A_6, %get3A_9, %dot_general3A {dimension_numbers = #tpu.dot_dimension_numbers<[1], [0], [0], [1], [0, 0, 1, 1], [], []>, transpose_lhs_hint = false} : vector<1024x512xf32>, vector<512x1024xf32>, vector<1024x1024xf32> -> vector<1024x1024xf32>
    %add3A = arith.addf %get3A_3, %dot_general3A_10 : vector<1024x1024xf32>
    %swap3A = arith.constant 0 : index
    %swap3A_11 = arith.constant 0 : index
    %swap3A_12 = vector.load %arg4[%swap3A, %swap3A_11] : memref<1024x1024xf32, #tpu.memory_space<vmem>>, vector<1024x1024xf32>
    tpu.vector_store %arg4[%swap3A, %swap3A_11], %add3A {strides = array<i32>} : memref<1024x1024xf32, #tpu.memory_space<vmem>>, vector<1024x1024xf32>,
    %eq3A_13 = arith.constant 97 : i32
    %eq3A_14 = arith.cmpi eq, %arg0, %eq3A_13 : i32
    %convert_element_type3A_15 = arith.extui %eq3A_14 : i1 to i32
    %cond3A_16 = arith.constant 0 : i32
    %cond3A_17 = arith.cmpi ne, %convert_element_type3A_15, %cond3A_16 : i32
    scf.if %cond3A_17 {
      %get3A_18 = arith.constant 0 : index
      %get3A_19 = arith.constant 0 : index
      %get3A_20 = vector.load %arg4[%get3A_18, %get3A_19] : memref<1024x1024xf32, #tpu.memory_space<vmem>>, vector<1024x1024xf32>
      %swap3A_21 = arith.constant 0 : index
      %swap3A_22 = arith.constant 0 : index
      %swap3A_23 = vector.load %arg3[%swap3A_21, %swap3A_22] : memref<1024x1024xf32, #tpu.memory_space<vmem>>, vector<1024x1024xf32>
      tpu.vector_store %arg3[%swap3A_21, %swap3A_22], %get3A_20 {strides = array<i32>} : memref<1024x1024xf32, #tpu.memory_space<vmem>>, vector<1024x1024xf32>,
    } else {
    }
    return
  }
  func.func @transform_0(%arg0: i32) -> (i32, i32) {
    %c0_i32 = arith.constant 0 : i32
    %c0_i32_0 = arith.constant 0 : i32
    return %c0_i32, %arg0 : i32, i32
  }
  func.func @transform_1(%arg0: i32) -> (i32, i32) {
    %c0_i32 = arith.constant 0 : i32
    %c0_i32_0 = arith.constant 0 : i32
    return %arg0, %c0_i32 : i32, i32
  }
  func.func @transform_2(%arg0: i32) -> (i32, i32) {
    %c0_i32 = arith.constant 0 : i32
    %c0_i32_0 = arith.constant 0 : i32
    %c0_i32_1 = arith.constant 0 : i32
    return %c0_i32, %c0_i32_0 : i32, i32
  }
}

</mosaic_0001>

<sc_bundles>
// kernel: kernel.5.cloned.1.call-start
scs
__scs_entry_jumppad:
0x0: {  	(pc) =	sbr.rel $0x88, $3  }
0x1: {  	(tag) =	ssettag $0x0;
	lr =	simm.s32 $0x1  }
0x2: {  	[smem:$0x3F99] =	sst lr;
	_ =	strace $0xD0000000  }
0x3: {  	_ = 	snop  }
0x4: {  	_ = 	snop  }
0x5: {  	_ = 	snop  }
0x6: {  	_ = 	snop  }
0x7: {  	_ = 	snop  }
__scs_overlays_trampoline_lowered:
0x8: {  	[smem:$0x3FA8] =	sst s0  }
0x9: {  	[smem:$0x3FA9] =	sst s1  }
0xa: {  	[smem:$0x3FAA] =	sst s2  }
0xb: {  	[smem:$0x3FAB] =	sst s3  }
0xc: {  	[smem:$0x3FAC] =	sst s4  }
0xd: {  	[smem:$0x3FAD] =	sst s5  }
0xe: {  	[smem:$0x3FAE] =	sst s6  }
0xf: {  	[smem:$0x3FAF] =	sst s7  }
0x10: {  	[smem:$0x3FB0] =	sst s8  }
0x11: {  	[smem:$0x3FB1] =	sst s9;
	s0 =	simm.s32 @!p0 $0x0  }
0x12: {  	s1 =	sld [smem:$0x3F97];
	s0 =	simm.s32 @p0 $0x1  }
0x13: {  	[smem:$0x3FB2] =	sst s0;
	s0 =	simm.s32 @!p1 $0x0  }
0x14: {  	s2 =	sld [smem:$0x3F96];
	s0 =	simm.s32 @p1 $0x1  }
0x15: {  	[smem:$0x3FB3] =	sst s0;
	s0 =	simm.s32 @!p2 $0x0  }
0x16: {  	s3 =	sld [smem:$0x3FDB];
	s0 =	simm.s32 @p2 $0x1  }
0x17: {  	s4 =	simm.s32 $0x1BF5;
	[smem:$0x3FB5] =	sst s0  }
0x18: {  	s0 =	sld [smem:$0x3F98];
	_ =	swait.ge [sflag:s4], $0x0  }
0x19: {  	s7 =	sld [smem:$0x3F99]  }
0x1a: {  	s8 =	sadd.s32 $0xFFFFE003, lr  }
0x1b: {  	s9 =	sadd.s32 $0xFFFFFEF7, lr;
	s5 =	simm.s32 $0xFFFFFFFF;
	p2 =	slt.u32 s8, $0xFFFFF086  }
0x1c: {  	p1 =	slt.u32 s9, $0xF7A;
	s5 =	simm.s32 @!p2 $0x0  }
0x1d: {  	s5 =	simm.s32 @p1 $0x1;
	p0 =	seq.s32 s7, s2  }
0x1e: {  	s7 =	smul.u32 @!p0 $0xF7A, s2;
	p2 =	seq.s32 @!p0 s5, $0x0  }
0x1f: {  	s9 =	smul.u32 $0xF7A, s1;
	s8 =	simm.s32 @!p0 $0x1BF5;
	p2 =	por !p2, p0  }
0x20: {  	[sflag:s8] =	ssyncset.s32 @!p0 $0xFFFFF086;
	s6 =	sadd.s32 @!p0 s3, s7;
	s7 =	simm.s32 @!p0 $0x108  }
0x21: {  	s3 =	sadd.s32 s3, s9;
	s6 =	sadd.s32 @!p0 $0x88, s6;
	s7 =	simm.s32 @p2 $0x1082  }
0x22: {  	[simem:s7], [sflag:s8] =	dma.local @!p0 [hbm:s6], $0xF7A  }
0x23: {  	s9 =	sor.u32 $0xD0000000, s2;
	s6 =	simm.s32 $0x108;
	_ =	swait.ge @!p0 [sflag:s8], $0x0  }
0x24: {  	s3 =	sadd.s32 $0x88, s3;
	s6 =	simm.s32 @!p1 $0x1082;
	[sflag:s4] =	ssyncset.s32 $0xFFFFF086  }
0x25: {  	[simem:s6], [sflag:s4] =	dma.local [hbm:s3], $0xF7A  }
0x26: {  	[smem:$0x3F99] =	sst s1;
	(tag) =	ssettag s2;
	_ =	strace s9  }
0x27: {  	s1 =	sld [smem:$0x3FA9]  }
0x28: {  	s2 =	sld [smem:$0x3FAA]  }
0x29: {  	s4 =	sld [smem:$0x3FAC]  }
0x2a: {  	p0 =	seq.s32 s5, $0x0;
	s5 =	sld [smem:$0x3FAD]  }
0x2b: {  	s6 =	sld [smem:$0x3FAE]  }
0x2c: {  	s7 =	sld [smem:$0x3FAF]  }
0x2d: {  	s3 =	simm.s32 $0x108;
	s8 =	sld [smem:$0x3FB0]  }
0x2e: {  	s3 =	simm.s32 @!p0 $0x1082;
	s9 =	sld [smem:$0x3FB1]  }
0x2f: {  	lr =	sadd.s32 s0, s3;
	s0 =	sld [smem:$0x3FA8]  }
0x30: {  	s3 =	sld [smem:$0x3FAB]  }
0x31: {  	[smem:$0x3FB4] =	sst s10  }
0x32: {  	s10 =	sld [smem:$0x3FB2];
	_ =	sdelay $0x3  }
0x33: {  	p0 =	seq.s32 s10, $0x1;
	s10 =	sld [smem:$0x3FB4];
	_ =	sdelay $0x3  }
0x34: {  	[smem:$0x3FB4] =	sst s10  }
0x35: {  	s10 =	sld [smem:$0x3FB3];
	_ =	sdelay $0x3  }
0x36: {  	p1 =	seq.s32 s10, $0x1;
	s10 =	sld [smem:$0x3FB4];
	_ =	sdelay $0x3  }
0x37: {  	[smem:$0x3FB4] =	sst s10  }
0x38: {  	s10 =	sld [smem:$0x3FB5]  }
0x39: {  	_ = 	snop;
	(pc) =	sbr.ind lr, $3  }
0x3a: {  	_ = 	snop  }
0x3b: {  	_ = 	snop  }
0x3c: {  	p2 =	seq.s32 s10, $0x1;
	s10 =	sld [smem:$0x3FB4]  }
0x3d: {  	_ =	shalt  }
0x3e: {  	_ =	shalt  }
0x3f: {  	_ =	shalt  }
0x40: {  	_ =	shalt  }
0x41: {  	_ =	shalt  }
0x42: {  	_ =	shalt  }
0x43: {  	_ =	shalt  }
0x44: {  	_ =	shalt  }
0x45: {  	_ =	shalt  }
0x46: {  	_ =	shalt  }
0x47: {  	_ =	shalt  }
0x48: {  	_ =	shalt  }
0x49: {  	_ =	shalt  }
0x4a: {  	_ =	shalt  }
0x4b: {  	_ =	shalt  }
0x4c: {  	_ =	shalt  }
0x4d: {  	_ =	shalt  }
0x4e: {  	_ =	shalt  }
0x4f: {  	_ =	shalt  }
0x50: {  	_ =	shalt  }
0x51: {  	_ =	shalt  }
0x52: {  	_ =	shalt  }
0x53: {  	_ =	shalt  }
0x54: {  	_ =	shalt  }
0x55: {  	_ =	shalt  }
0x56: {  	_ =	shalt  }
0x57: {  	_ =	shalt  }
0x58: {  	_ =	shalt  }
0x59: {  	_ =	shalt  }
0x5a: {  	_ =	shalt  }
0x5b: {  	_ =	shalt  }
0x5c: {  	_ =	shalt  }
0x5d: {  	_ =	shalt  }
0x5e: {  	_ =	shalt  }
0x5f: {  	_ =	shalt  }
0x60: {  	_ =	shalt  }
0x61: {  	_ =	shalt  }
0x62: {  	_ =	shalt  }
0x63: {  	_ =	shalt  }
0x64: {  	_ =	shalt  }
0x65: {  	_ =	shalt  }
0x66: {  	_ =	shalt  }
0x67: {  	_ =	shalt  }
0x68: {  	_ =	shalt  }
0x69: {  	_ =	shalt  }
0x6a: {  	_ =	shalt  }
0x6b: {  	_ =	shalt  }
0x6c: {  	_ =	shalt  }
0x6d: {  	_ =	shalt  }
0x6e: {  	_ =	shalt  }
0x6f: {  	_ =	shalt  }
0x70: {  	_ =	shalt  }
0x71: {  	_ =	shalt  }
0x72: {  	_ =	shalt  }
0x73: {  	_ =	shalt  }
0x74: {  	_ =	shalt  }
0x75: {  	_ =	shalt  }
0x76: {  	_ =	shalt  }
0x77: {  	_ =	shalt  }
0x78: {  	_ =	shalt  }
0x79: {  	_ =	shalt  }
0x7a: {  	_ =	shalt  }
0x7b: {  	_ =	shalt  }
0x7c: {  	_ =	shalt  }
0x7d: {  	_ =	shalt  }
0x7e: {  	_ =	shalt  }
0x7f: {  	_ =	shalt  }
0x80: {  	_ =	shalt  }
0x81: {  	_ =	shalt  }
0x82: {  	_ =	shalt  }
0x83: {  	_ =	shalt  }
0x84: {  	_ =	shalt  }
0x85: {  	_ =	shalt  }
0x86: {  	_ =	shalt  }
0x87: {  	_ =	shalt  }
.Lfunc_end0:
.L_simem_size_0:
called_computation_lowered:
.L_overlay_start_0:
0x88: {  	s2 =	sld [smem:$0x3FD9]  }
0x89: {  	s3 =	sld [smem:$0x3FFE];
	_ =	sdelay $0x1  }
0x8a: {  	s1 =	srdreg.scid  }
0x8b: {  	s0 =	sand.u32 $0x1, s1  }
0x8c: {  	s17 =	sshll.u32 s0, $0xA;
	s2 =	sadd.s32 s3, s2  }
0x8d: {  	s2 =	sadd.s32 s2, s17  }
0x8e: {  	[smem:$0x3FC0] =	sst s2  }
0x8f: {  	_ = 	snop  }
0x90: {  	s2 =	sld [smem:$0x3FC8];
	(tm) =	ssettm $0x1  }
0x91: {  	s18 =	sld [smem:$0x3FFB];
	_ =	sdelay $0x3  }
0x92: {  	_ =	strace s18  }
0x93: {  	s3 =	sld [smem:$0x3FFC];
	_ =	sdelay $0x3  }
0x94: {  	_ =	strace s3  }
0x95: {  	s3 =	sld [smem:$0x3FFD];
	_ =	sdelay $0x3  }
0x96: {  	_ =	strace s3  }
0x97: {  	_ =	strace $0x8FFFFFFF  }
0x98: {  	s19 =	sld [smem:$0x3FDB];
	_ =	sdelay $0x1  }
0x99: {  	s4 =	simm.s32 $_scs_section_size  }
0x9a: {  	s5 =	simm.s32 $_size__tile_overlayer_lowered;
	s6 =	simm.s32 $_tile_overlayer_lowered  }
0x9b: {  	s22 =	simm.s32 $0x1BFF;
	s21 =	sshll.u32 s6, $0x1;
	s3 =	sadd.s32 s4, s19  }
0x9c: {  	s7 =	simm.s32 $0x0;
	s20 =	sshll.u32 s5, $0x1;
	s5 =	sadd.s32 s21, s3  }
0x9d: {  	[timem:s7], [sflag:s22] =	dma.local [hbm:s5], s20  }
0x9e: {  	_ =	swait.ge [sflag:s22], s20  }
0x9f: {  	s4 =	ssub.s32 $0x0, s20;
	[sflag:s22] =	ssyncset.done $0x0  }
0xa0: {  	[sflag:s22] =	ssyncadd.s32 s4;
	_ =	sdelay $0x1  }
0xa1: {  	s23 =	simm.s32 $0x1B8B  }
0xa2: {  	_ =	swait.ge [sflag:s23], $0x1  }
0xa3: {  	[sflag:s23] =	ssyncset.done $0x0  }
0xa4: {  	s25 =	simm.s32 $0x1B8E;
	s24 =	sld [smem:$0x3FFE];
	[sflag:s23] =	ssyncadd.s32 $0xFFFFFFFF  }
0xa5: {  	s26 =	simm.s32 $execute0_lowered;
	[smem:$0x3FD2] =	sst s25  }
0xa6: {  	s5 =	sshll.u32 s26, $0x1;
	_ =	strace $0x80000046;
	[dreg:$0x1] =	wrdreg $0xFFFFFFFF  }
0xa7: {  	s28 =	simm.s32 $_size_execute0_lowered;
	s3 =	sadd.s32 s3, s5;
	[dreg:$0x0] =	wrdreg $0x0  }
0xa8: {  	s5 =	sshll.u32 s28, $0x1;
	[dreg:$0x2] =	wrdreg s3  }
0xa9: {  	[dreg:$0x3] =	wrdreg s5  }
0xaa: {  	[dreg:$0x4] =	wrdreg $0xC0  }
0xab: {  	_ =	task [dreg:s7], $0x5FFFF  }
0xac: {  	[dreg:$0x1] =	wrdreg $0xFFFFFFFF  }
0xad: {  	[dreg:$0x0] =	wrdreg $0x60  }
0xae: {  	[dreg:$0x2] =	wrdreg s2  }
0xaf: {  	[dreg:$0x3] =	wrdreg s24  }
0xb0: {  	[dreg:$0x4] =	wrdreg $0x26800  }
0xb1: {  	[dreg:$0x5] =	wrdreg $0x9  }
0xb2: {  	_ =	task.clear_ibuf [dreg:s7], $0x6FFFF;
	_ =	strace $0x90000046  }
0xb3: {  	s29 =	simm.s32 $0x9;
	_ =	strace $0x80000048  }
0xb4: {  	_ =	swait.ge [sflag:s29], $0x1  }
0xb5: {  	[sflag:s29] =	ssyncadd.s32 $0xFFFFFFFF  }
0xb6: {  	_ =	strace $0x90000048  }
0xb7: {  	_ =	sfence  }
0xb8: {  	s30 =	sld [smem:$0x0];
	_ =	sdelay $0x2  }
0xb9: {  	s31 =	sshll.u32 s1, $0xD;
	s1 =	sshrl.u32 s1, $0x2  }
0xba: {  	s3 =	sand.u32 $0x4000, s31;
	s1 =	sadd.s32 s1, s30  }
0xbb: {  	s0 =	sor.u32 s3, s0;
	s1 =	sshll.u32 s1, $0x11  }
0xbc: {  	s0 =	sor.u32 s1, s0  }
0xbd: {  	s0 =	sadd.s32 $0x8F2B, s0  }
0xbe: {  	[sflag:s0] =	ssyncadd.remote.s32 $0x1  }
0xbf: {  	_ =	sfence.sel $0xFFFF  }
0xc0: {  	[dreg:$0x0] =	wrdreg $0xFFFFFFFF;
	(pc) =	sbr.abs _section_cstart, $3  }
0xc1: {  	[dreg:$0x1] =	wrdreg $0xFFFFFFFF  }
0xc2: {  	_ =	task.clear_ibuf [dreg:s7], $0x2FFFF;
	_ =	strace $0x9FFFFFFF  }
0xc3: {  	(tm) =	ssettm $0x7FFFFFFF  }
tec
execute0_lowered:
.L_overlay_start_1:
0x0: {  	(tag) =	ssettag $0x1  }
0x1: {  	s11 =	rddreg [dreg:$0x0]  }
0x2: {  	s4 =	rddreg [dreg:$0x1]  }
0x3: {  	s1 =	rddreg [dreg:$0x2]  }
0x4: {  	s0 =	rddreg [dreg:$0x3]  }
0x5: {  	s2 =	simm.s32 $0x0;
	s3 =	srdreg.scid;
	s17 =	simm.s32 $0x80  }
0x6: {  	s18 =	simm.s32 $0x400;
	s19 =	simm.s32 $0x600;
	s20 =	simm.s32 $0x480  }
0x7: {  	s21 =	simm.s32 $0x500;
	s22 =	simm.s32 $0x580;
	s25 =	simm.s32 $0x20  }
0x8: {  	s26 =	simm.s32 $0x10;
	s28 =	simm.s32 $0x0;
	[smem:$0x7FF] =	sst s2  }
0x9: {  	s12 =	sand.u32 $0x1, s3;
	s3 =	stileid.u32;
	_ =	strace $0x80000047  }
0xa: {  	s5 =	sshll.u32 s12, $0x4;
	s6 =	ssub.s32 $0x2, s12;
	s7 =	sshll.u32 s3, $0x10  }
0xb: {  	s15 =	sshll.u32 s3, $0x7;
	s16 =	sshll.u32 s3, $0xE;
	s12 =	sshll.u32 s12, $0xB  }
0xc: {  	s23 =	sshll.u32 s3, $0x6;
	s13 =	sadd.s32 s5, s4;
	s31 =	sshrl.u32 s6, $0x1  }
0xd: {  	s4 =	sadd.s32 s7, s1;
	s15 =	sadd.s32 s11, s15;
	s23 =	sor.u32 $0x1C01, s23  }
0xe: {  	s14 =	ssub.s32 s6, s31;
	s5 =	sadd.s32 $0x2000, s4;
	s6 =	sadd.s32 $0x4000, s4  }
0xf: {  	s7 =	sadd.s32 $0x6000, s4;
	s8 =	sadd.s32 $0x8000, s4;
	s9 =	sadd.s32 $0xA000, s4  }
0x10: {  	s10 =	sadd.s32 $0xC000, s4;
	s13 =	sadd.s32 s16, s13;
	s11 =	sadd.s32 $0xE000, s4  }
0x11: {  	s12 =	sadd.s32 s12, s15;
	s15 =	simm.s32 $0x680;
	s16 =	simm.s32 $0x1  }
0x12: {  	v0 =	vimm.f32 $0.0e+00;
	v1 =	vimm.f32 $1.000000000e+00;
	s24 =	sshrl.u32 s4, $0x3;
	s13 =	sadd.s32 $0xE00, s13;
	s14 =	smax.u32 s14, $0x1  }
.LBB2_1:
0x13: {  	s29 =	simm.s32 $0x40;
	s30 =	simm.s32 $0x0  }
.LBB2_2:
0x14: {  	p0 =	sne.s32 s29, $0x7FC0;
	[tilespmem:s30+$0x680] =	vst v0;
	s30 =	smov.u32 s29;
	s29 =	sadd.s32 $0x40, s29  }
.Ltmp0:
0x15: {  	(pc) =	sbr.rel @p0 .LBB2_2-.Ltmp0, $2  }
0x16: {  	_ =	sdelay $0x2  }
0x17: {  	s30 =	sshra.s32 s30, $0x2  }
0x18: {  	[tilespmem:s30+$0x680] =	vst v0  }
0x19: {  	[tilespmem:$0x600] =	vst v1  }
0x1a: {  	[tilespmem:$0x610] =	vst v1  }
0x1b: {  	[tilespmem:$0x620] =	vst v1  }
0x1c: {  	[tilespmem:$0x630] =	vst v1  }
0x1d: {  	[tilespmem:$0x640] =	vst v1  }
0x1e: {  	[tilespmem:$0x650] =	vst v1  }
0x1f: {  	[tilespmem:$0x660] =	vst v1  }
0x20: {  	[tilespmem:$0x670] =	vst v1  }
0x21: {  	[spmem:s4] =	stream.linear.scatter [tilespmem:s15], [sflag:$0x1], $0x2000, $0x38;
	[tilespmem:$0x12680] =	vst v63  }
0x22: {  	_ =	swait.ge [sflag:s16], $0x2000  }
0x23: {  	[sflag:s16] =	ssyncset.done $0x0  }
0x24: {  	[sflag:s16] =	ssyncadd.s32 $0xFFFFE000  }
0x25: {  	[spmem:s5] =	stream.linear.scatter [tilespmem:s15], [sflag:$0x1], $0x2000, $0x38;
	[tilespmem:$0x12680] =	vst v63  }
0x26: {  	_ =	swait.ge [sflag:s16], $0x2000  }
0x27: {  	[sflag:s16] =	ssyncset.done $0x0  }
0x28: {  	[sflag:s16] =	ssyncadd.s32 $0xFFFFE000  }
0x29: {  	[spmem:s6] =	stream.linear.scatter [tilespmem:s15], [sflag:$0x1], $0x2000, $0x38;
	[tilespmem:$0x12680] =	vst v63  }
0x2a: {  	_ =	swait.ge [sflag:s16], $0x2000  }
0x2b: {  	[sflag:s16] =	ssyncset.done $0x0  }
0x2c: {  	[sflag:s16] =	ssyncadd.s32 $0xFFFFE000  }
0x2d: {  	[spmem:s7] =	stream.linear.scatter [tilespmem:s15], [sflag:$0x1], $0x2000, $0x38;
	[tilespmem:$0x12680] =	vst v63  }
0x2e: {  	_ =	swait.ge [sflag:s16], $0x2000  }
0x2f: {  	[sflag:s16] =	ssyncset.done $0x0  }
0x30: {  	[sflag:s16] =	ssyncadd.s32 $0xFFFFE000  }
0x31: {  	[spmem:s8] =	stream.linear.scatter [tilespmem:s15], [sflag:$0x1], $0x2000, $0x38;
	[tilespmem:$0x12680] =	vst v63  }
0x32: {  	_ =	swait.ge [sflag:s16], $0x2000  }
0x33: {  	[sflag:s16] =	ssyncset.done $0x0  }
0x34: {  	[sflag:s16] =	ssyncadd.s32 $0xFFFFE000  }
0x35: {  	[spmem:s9] =	stream.linear.scatter [tilespmem:s15], [sflag:$0x1], $0x2000, $0x38;
	[tilespmem:$0x12680] =	vst v63  }
0x36: {  	_ =	swait.ge [sflag:s16], $0x2000  }
0x37: {  	[sflag:s16] =	ssyncset.done $0x0  }
0x38: {  	[sflag:s16] =	ssyncadd.s32 $0xFFFFE000  }
0x39: {  	[spmem:s10] =	stream.linear.scatter [tilespmem:s15], [sflag:$0x1], $0x2000, $0x38;
	[tilespmem:$0x12680] =	vst v63  }
0x3a: {  	_ =	swait.ge [sflag:s16], $0x2000  }
0x3b: {  	[sflag:s16] =	ssyncset.done $0x0  }
0x3c: {  	[sflag:s16] =	ssyncadd.s32 $0xFFFFE000  }
0x3d: {  	[spmem:s11] =	stream.linear.scatter [tilespmem:s15], [sflag:$0x1], $0x2000, $0x38;
	[tilespmem:$0x12680] =	vst v63  }
0x3e: {  	_ =	swait.ge [sflag:s16], $0x2000  }
0x3f: {  	[sflag:s16] =	ssyncset.done $0x0  }
0x40: {  	[sflag:s16] =	ssyncadd.s32 $0xFFFFE000  }
0x41: {  	[bflag:$0x0] =	sbarrier.arrive $0xFFFF  }
0x42: {  	[tilespmem:s2], [sflag:$0x1] =	stream.linear.gather [hbm4b:s12+s2], $0x400, $0x38;
	[tilespmem:$0x12680] =	vst v63  }
0x43: {  	_ =	swait.ge [sflag:s16], $0x400  }
0x44: {  	[sflag:s16] =	ssyncset.done $0x0  }
0x45: {  	[sflag:s16] =	ssyncadd.s32 $0xFFFFFC00  }
0x46: {  	v2 =	vld [tilespmem:$0x0]  }
0x47: {  	v3 =	vld [tilespmem:$0x80]  }
0x48: {  	v4 =	vld [tilespmem:$0x10]  }
0x49: {  	v5 =	vld [tilespmem:$0x90]  }
0x4a: {  	v6 =	vld [tilespmem:$0x20]  }
0x4b: {  	v7 =	vld [tilespmem:$0xA0]  }
0x4c: {  	v8 =	vld [tilespmem:$0x30]  }
0x4d: {  	v9 =	vld [tilespmem:$0xB0]  }
0x4e: {  	v10 =	vld [tilespmem:$0x40]  }
0x4f: {  	v11 =	vld [tilespmem:$0xC0]  }
0x50: {  	v12 =	vld [tilespmem:$0x50]  }
0x51: {  	v13 =	vld [tilespmem:$0xD0]  }
0x52: {  	v14 =	vld [tilespmem:$0x60]  }
0x53: {  	v15 =	vld [tilespmem:$0xE0]  }
0x54: {  	v16 =	vld [tilespmem:$0x70]  }
0x55: {  	v17 =	vld [tilespmem:$0xF0]  }
0x56: {  	v18 =	vld [tilespmem:$0x100]  }
0x57: {  	v19 =	vld [tilespmem:$0x180]  }
0x58: {  	v20 =	vld [tilespmem:$0x110]  }
0x59: {  	v21 =	vld [tilespmem:$0x190]  }
0x5a: {  	v22 =	vld [tilespmem:$0x120]  }
0x5b: {  	v23 =	vld [tilespmem:$0x1A0]  }
0x5c: {  	v24 =	vld [tilespmem:$0x130]  }
0x5d: {  	v25 =	vld [tilespmem:$0x1B0]  }
0x5e: {  	v26 =	vld [tilespmem:$0x140]  }
0x5f: {  	v27 =	vld [tilespmem:$0x1C0]  }
0x60: {  	v28 =	vld [tilespmem:$0x150]  }
0x61: {  	v29 =	vld [tilespmem:$0x1D0]  }
0x62: {  	v30 =	vld [tilespmem:$0x160]  }
0x63: {  	v31 =	vld [tilespmem:$0x1E0]  }
0x64: {  	v32 =	vld [tilespmem:$0x170]  }
0x65: {  	v33 =	vld [tilespmem:$0x1F0]  }
0x66: {  	v34 =	vld [tilespmem:$0x200]  }
0x67: {  	v35 =	vld [tilespmem:$0x280]  }
0x68: {  	v36 =	vld [tilespmem:$0x210]  }
0x69: {  	v37 =	vld [tilespmem:$0x290]  }
0x6a: {  	v38 =	vld [tilespmem:$0x220];
	v3 =	vshll.u32 v3, $0xA  }
0x6b: {  	v62 =	vld [tilespmem:$0x2A0];
	v2 =	vadd.s32 v2, v3;
	v3 =	vshll.u32 v5, $0xA  }
0x6c: {  	v63 =	vld [tilespmem:$0x230];
	[tilespmem:$0x400] =	vst v2;
	v2 =	vadd.s32 v4, v3;
	v3 =	vshll.u32 v7, $0xA  }
0x6d: {  	v39 =	vld [tilespmem:$0x2B0];
	[tilespmem:$0x410] =	vst v2;
	v2 =	vadd.s32 v6, v3;
	v3 =	vshll.u32 v9, $0xA  }
0x6e: {  	v40 =	vld [tilespmem:$0x240];
	[tilespmem:$0x420] =	vst v2;
	v2 =	vadd.s32 v8, v3;
	v3 =	vshll.u32 v11, $0xA  }
0x6f: {  	v41 =	vld [tilespmem:$0x2C0];
	[tilespmem:$0x430] =	vst v2;
	v2 =	vadd.s32 v10, v3;
	v3 =	vshll.u32 v13, $0xA  }
0x70: {  	v42 =	vld [tilespmem:$0x250];
	[tilespmem:$0x440] =	vst v2;
	v2 =	vadd.s32 v12, v3;
	v3 =	vshll.u32 v15, $0xA  }
0x71: {  	v43 =	vld [tilespmem:$0x2D0];
	[tilespmem:$0x450] =	vst v2;
	v2 =	vadd.s32 v14, v3;
	v3 =	vshll.u32 v17, $0xA  }
0x72: {  	v44 =	vld [tilespmem:$0x260];
	[tilespmem:$0x460] =	vst v2;
	v2 =	vadd.s32 v16, v3;
	v3 =	vshll.u32 v19, $0xA  }
0x73: {  	v45 =	vld [tilespmem:$0x2E0];
	[tilespmem:$0x470] =	vst v2;
	v2 =	vadd.s32 v18, v3;
	v3 =	vshll.u32 v21, $0xA  }
0x74: {  	v46 =	vld [tilespmem:$0x270];
	[tilespmem:$0x480] =	vst v2;
	v2 =	vadd.s32 v20, v3;
	v3 =	vshll.u32 v23, $0xA  }
0x75: {  	v47 =	vld [tilespmem:$0x2F0];
	[tilespmem:$0x490] =	vst v2;
	v2 =	vadd.s32 v22, v3;
	v3 =	vshll.u32 v25, $0xA  }
0x76: {  	v48 =	vld [tilespmem:$0x300];
	[tilespmem:$0x4A0] =	vst v2;
	v2 =	vadd.s32 v24, v3;
	v3 =	vshll.u32 v27, $0xA  }
0x77: {  	v49 =	vld [tilespmem:$0x380];
	[tilespmem:$0x4B0] =	vst v2;
	v2 =	vadd.s32 v26, v3;
	v3 =	vshll.u32 v29, $0xA  }
0x78: {  	v50 =	vld [tilespmem:$0x310];
	[tilespmem:$0x4C0] =	vst v2;
	v2 =	vadd.s32 v28, v3;
	v3 =	vshll.u32 v31, $0xA  }
0x79: {  	v51 =	vld [tilespmem:$0x390];
	[tilespmem:$0x4D0] =	vst v2;
	v2 =	vadd.s32 v30, v3;
	v3 =	vshll.u32 v33, $0xA  }
0x7a: {  	v52 =	vld [tilespmem:$0x320];
	[tilespmem:$0x4E0] =	vst v2;
	v2 =	vadd.s32 v32, v3;
	v3 =	vshll.u32 v35, $0xA  }
0x7b: {  	v53 =	vld [tilespmem:$0x3A0];
	[tilespmem:$0x4F0] =	vst v2;
	v2 =	vadd.s32 v34, v3;
	v3 =	vshll.u32 v37, $0xA  }
0x7c: {  	v54 =	vld [tilespmem:$0x330];
	[tilespmem:$0x500] =	vst v2;
	v2 =	vadd.s32 v36, v3;
	v3 =	vshll.u32 v62, $0xA  }
0x7d: {  	v55 =	vld [tilespmem:$0x3B0];
	[tilespmem:$0x510] =	vst v2;
	v2 =	vadd.s32 v38, v3;
	v3 =	vshll.u32 v39, $0xA  }
0x7e: {  	v56 =	vld [tilespmem:$0x340];
	[tilespmem:$0x520] =	vst v2;
	v2 =	vadd.s32 v63, v3;
	v3 =	vshll.u32 v41, $0xA  }
0x7f: {  	v57 =	vld [tilespmem:$0x3C0];
	[tilespmem:$0x530] =	vst v2;
	v2 =	vadd.s32 v40, v3;
	v3 =	vshll.u32 v43, $0xA  }
0x80: {  	v58 =	vld [tilespmem:$0x350];
	[tilespmem:$0x540] =	vst v2;
	v2 =	vadd.s32 v42, v3;
	v3 =	vshll.u32 v45, $0xA  }
0x81: {  	v59 =	vld [tilespmem:$0x3D0];
	[tilespmem:$0x550] =	vst v2;
	v2 =	vadd.s32 v44, v3;
	v3 =	vshll.u32 v47, $0xA  }
0x82: {  	v60 =	vld [tilespmem:$0x360];
	[tilespmem:$0x560] =	vst v2;
	v2 =	vadd.s32 v46, v3;
	v3 =	vshll.u32 v49, $0xA  }
0x83: {  	v61 =	vld [tilespmem:$0x3E0];
	[tilespmem:$0x570] =	vst v2;
	v2 =	vadd.s32 v48, v3;
	v3 =	vshll.u32 v51, $0xA  }
0x84: {  	v62 =	vld [tilespmem:$0x3F0];
	[tilespmem:$0x580] =	vst v2;
	v2 =	vadd.s32 v50, v3;
	v3 =	vshll.u32 v53, $0xA  }
0x85: {  	v63 =	vld [tilespmem:$0x370];
	[tilespmem:$0x590] =	vst v2;
	v2 =	vadd.s32 v52, v3;
	v3 =	vshll.u32 v55, $0xA  }
0x86: {  	[tilespmem:$0x5A0] =	vst v2;
	v2 =	vadd.s32 v54, v3;
	v3 =	vshll.u32 v57, $0xA  }
0x87: {  	[tilespmem:$0x5B0] =	vst v2;
	v2 =	vadd.s32 v56, v3;
	v3 =	vshll.u32 v59, $0xA  }
0x88: {  	[tilespmem:$0x5C0] =	vst v2;
	v2 =	vadd.s32 v58, v3;
	v3 =	vshll.u32 v61, $0xA  }
0x89: {  	[tilespmem:$0x5D0] =	vst v2;
	v2 =	vadd.s32 v60, v3;
	v3 =	vshll.u32 v62, $0xA  }
0x8a: {  	[tilespmem:$0x5E0] =	vst v2;
	v2 =	vadd.s32 v63, v3  }
0x8b: {  	[tilespmem:$0x5F0] =	vst v2  }
0x8c: {  	[spmem:s1] =	stream.indirect.scatter.add.f32 [tilespmem:s19], [sflag:$0x1], $0x1, s18, s17, $0xb8;
	[tilespmem:$0x12680] =	vst v63  }
0x8d: {  	_ =	swait.ge [sflag:s16], $0x80  }
0x8e: {  	[sflag:s16] =	ssyncset.done $0x0  }
0x8f: {  	[sflag:s16] =	ssyncadd.s32 $0xFFFFFF80  }
0x90: {  	[spmem:s1] =	stream.indirect.scatter.add.f32 [tilespmem:s19], [sflag:$0x1], $0x1, s20, s17, $0xb8;
	[tilespmem:$0x12680] =	vst v63  }
0x91: {  	_ =	swait.ge [sflag:s16], $0x80  }
0x92: {  	[sflag:s16] =	ssyncset.done $0x0  }
0x93: {  	[sflag:s16] =	ssyncadd.s32 $0xFFFFFF80  }
0x94: {  	[spmem:s1] =	stream.indirect.scatter.add.f32 [tilespmem:s19], [sflag:$0x1], $0x1, s21, s17, $0xb8;
	[tilespmem:$0x12680] =	vst v63  }
0x95: {  	_ =	swait.ge [sflag:s16], $0x80  }
0x96: {  	[sflag:s16] =	ssyncset.done $0x0  }
0x97: {  	[sflag:s16] =	ssyncadd.s32 $0xFFFFFF80  }
0x98: {  	[spmem:s1] =	stream.indirect.scatter.add.f32 [tilespmem:s19], [sflag:$0x1], $0x1, s22, s17, $0xb8;
	[tilespmem:$0x12680] =	vst v63  }
0x99: {  	_ =	swait.ge [sflag:s16], $0x80  }
0x9a: {  	s28 =	sadd.s32 $0x1, s28;
	[sflag:s16] =	ssyncset.done $0x0  }
0x9b: {  	p0 =	sne.s32 s28, s14;
	[sflag:s16] =	ssyncadd.s32 $0xFFFFFF80  }
.Ltmp1:
0x9c: {  	[bflag:$0x0] =	sbarrier.arrive $0xFFFF;
	(pc) =	sbr.rel @p0 .LBB2_1-.Ltmp1, $4  }
0x9d: {  	[hbm:s13@s25], [sflag:s23] =	dma.strided [spmem:s24@s26], $0x2000, s16, $0x10   }
0x9e: {  	_ =	swait.ge [sflag:s16], $0x2000  }
0x9f: {  	[sflag:s16] =	ssyncset.done $0x0  }
0xa0: {  	[sflag:s16] =	ssyncadd.s32 $0xFFFFE000  }
0xa1: {  	_ =	sfence.sel $0x180000  }
0xa2: {  	[bflag:$0x0] =	sbarrier.arrive $0xFFFF  }
0xa3: {  	p0 =	sne.s32 s3, $0x0;
	_ =	strace $0x90000047  }
0xa4: {  	s0 =	sadd.s32 @!p0 $0x100000, s0;
	[bflag:$0x2] =	sbarrier.arrive $0xFFFF  }
0xa5: {  	[sflag:s0] =	ssyncadd.tile.s32 @!p0 $0x1;
	_ =	shalt  }
.Lfunc_end2:
_tile_overlayer_lowered:
.L_overlay_start_2:
0xa6: {  	(tag) =	ssettag $0x2  }
0xa7: {  	s0 =	rddreg [dreg:$0x0];
	s2 =	stileid.u32  }
0xa8: {  	s1 =	rddreg [dreg:$0x1];
	p0 =	sne.s32 s2, $0x0  }
0xa9: {  	s3 =	rddreg [dreg:$0x2];
	[bflag:$0x3] =	sbarrier.arrive $0xFFFF;
	s2 =	simm.s32 @!p0 $0x1C01  }
0xaa: {  	[timem:s3], [sflag:s2] =	dma.local @!p0 [hbm:s0], s1  }
0xab: {  	s0 =	simm.s32 @!p0 $0x1  }
0xac: {  	_ =	swait.ge @!p0 [sflag:s0], s1  }
0xad: {  	s1 =	ssub.s32 @!p0 $0x0, s1;
	[sflag:s0] =	ssyncset.done @!p0 $0x0  }
0xae: {  	[sflag:s0] =	ssyncadd.s32 @!p0 s1  }
0xaf: {  	[bflag:$0x3] =	sbarrier.arrive $0xFFFF  }
0xb0: {  	_ =	shalt  }

</sc_bundles>
